<compile_context>
chip_gen: v7x
topology: tpu7x:2x2x1
jax: 0.10.2.dev20260603
libtpu: 0.0.44.dev20260713+nightly
codegen_flags: <defaults>
</compile_context>

<pallas_src>
import functools

import jax
import jax.numpy as jnp
from jax import lax
from jax.experimental import pallas as pl
from jax.experimental.pallas import tpu as pltpu
from jax.experimental.pallas import tpu_sc as plsc

WIDTH = 1024
NUM_CORES = 2
NUM_SUBCORES = 16
NW = NUM_CORES * NUM_SUBCORES
CHUNK = 16
NBUF = 6
LOOK = 3


@functools.partial(jax.jit, static_argnames=("total",))
def _gather(idx_flat, pe, total):
    b_per_w = total // NW
    n_chunks = b_per_w // CHUNK
    mesh = plsc.VectorSubcoreMesh(core_axis_name="c", subcore_axis_name="s")

    @functools.partial(
        pl.kernel,
        mesh=mesh,
        out_type=jax.ShapeDtypeStruct((total, WIDTH), jnp.float32),
        scratch_types=(
            [pltpu.VMEM((b_per_w,), jnp.int32)]
            + [pltpu.VMEM((CHUNK, WIDTH), jnp.float32)] * NBUF
            + [pltpu.SemaphoreType.DMA] * (2 * NBUF)
        ),
    )
    def k(idx_hbm, table_hbm, out_hbm, idx_v, *bufs_sems):
        bufs = bufs_sems[:NBUF]
        gsems = bufs_sems[NBUF:2 * NBUF]
        ssems = bufs_sems[2 * NBUF:]
        wid = lax.axis_index("s") * NUM_CORES + lax.axis_index("c")
        base = wid * b_per_w
        pltpu.sync_copy(idx_hbm.at[pl.ds(base, b_per_w)], idx_v)

        def gather(g, b):
            off = g * CHUNK
            return pltpu.make_async_copy(
                table_hbm.at[idx_v.at[pl.ds(off, CHUNK)]], bufs[b], gsems[b])

        def store(g, b):
            off = g * CHUNK
            return pltpu.make_async_copy(
                bufs[b], out_hbm.at[pl.ds(base + off, CHUNK)], ssems[b])

        def body(g, p, store_wait=True, issue_gather=True):
            gather(g, p).wait()
            store(g, p).start()
            if store_wait:
                store(g - LOOK, (p + LOOK) % NBUF).wait()
            if issue_gather:
                gather(g + LOOK, (p + LOOK) % NBUF).start()

        for g in range(LOOK):
            gather(g, g).start()
        for g in range(LOOK):
            body(g, g, store_wait=False)

        n_steady = n_chunks - 2 * LOOK
        n_groups = n_steady // NBUF

        def group(q, carry):
            g_base = NBUF * q + LOOK
            for j in range(NBUF):
                body(g_base + j, (LOOK + j) % NBUF)
            return carry

        lax.fori_loop(0, n_groups, group, 0)

        for g in range(NBUF * n_groups + LOOK, n_chunks - LOOK):
            body(g, g % NBUF)

        for g in range(n_chunks - LOOK, n_chunks):
            body(g, g % NBUF, issue_gather=False)
        for g in range(n_chunks - LOOK, n_chunks):
            store(g, g % NBUF).wait()

    return k(idx_flat, pe)


def kernel(pos_id, pe):
    b, s = pos_id.shape
    total = b * s
    out = _gather(pos_id.reshape(total), pe, total)
    return out.reshape(b, s, WIDTH)

# --- scband reference (transcript-rebuilt; emitter-appended) ---
"""Pipeline reference for scband-sinusoidal-position-encoding-2748779069675 (READ-ONLY COPY).

The authoritative reference and input builder live on the scoring server;
editing this copy changes nothing except your own understanding.
"""

import math
import jax, jax.numpy as jnp
import numpy as np

WIDTH = 1024
MAX_LEN = 8192
BATCH = 4
SEQ = 8192


def _build_pe():
    position = jnp.arange(MAX_LEN, dtype=jnp.float32)[:, None]
    div_term = jnp.exp(jnp.arange(0, WIDTH, 2, dtype=jnp.float32) * (-math.log(10000.0) / WIDTH))
    pe = jnp.zeros((MAX_LEN, WIDTH), dtype=jnp.float32)
    pe = pe.at[:, 0::2].set(jnp.sin(position * div_term))
    pe = pe.at[:, 1::2].set(jnp.cos(position * div_term))
    # normalize=True -> L2 normalize along the width dim
    l2 = jnp.linalg.norm(pe, axis=-1, keepdims=True)
    pe = pe / l2
    return pe


def setup_inputs(seed: int = 0) -> dict:
    key = jax.random.key(seed)
    pos_id = jax.random.randint(key, (BATCH, SEQ), 0, MAX_LEN, dtype=jnp.int32)
    pe = _build_pe()
    return {"pos_id": pos_id, "pe": pe}


def reference(pos_id, pe):
    # forward: self.pe[pos_id] -> gather rows of the sinusoidal table
    return jnp.take(pe, pos_id, axis=0)

if __name__ == "__main__":
    import jax
    _d = setup_inputs()
    print(jax.jit(kernel)(*tuple(_d.values())))

</pallas_src>

<mosaic_0001>
#map = affine_map<(d0, d1) -> (0)>
#map1 = affine_map<(d0, d1) -> (0, 0)>
module attributes {stable_mosaic.version = 14 : i64} {
  func.func @k(%arg0: i32, %arg1: i32, %arg2: memref<32768xi32, #tpu.memory_space<hbm>>, %arg3: memref<8192x1024xf32, #tpu.memory_space<hbm>>, %arg4: memref<32768x1024xf32, #tpu.memory_space<hbm>>, %arg5: memref<1024xi32, #tpu.memory_space<vmem>>, %arg6: memref<16x1024xf32, #tpu.memory_space<vmem>>, %arg7: memref<16x1024xf32, #tpu.memory_space<vmem>>, %arg8: memref<16x1024xf32, #tpu.memory_space<vmem>>, %arg9: memref<16x1024xf32, #tpu.memory_space<vmem>>, %arg10: memref<16x1024xf32, #tpu.memory_space<vmem>>, %arg11: memref<16x1024xf32, #tpu.memory_space<vmem>>, %arg12: memref<!tpu.dma_semaphore, #tpu.memory_space<semaphore_mem>>, %arg13: memref<!tpu.dma_semaphore, #tpu.memory_space<semaphore_mem>>, %arg14: memref<!tpu.dma_semaphore, #tpu.memory_space<semaphore_mem>>, %arg15: memref<!tpu.dma_semaphore, #tpu.memory_space<semaphore_mem>>, %arg16: memref<!tpu.dma_semaphore, #tpu.memory_space<semaphore_mem>>, %arg17: memref<!tpu.dma_semaphore, #tpu.memory_space<semaphore_mem>>, %arg18: memref<!tpu.dma_semaphore, #tpu.memory_space<semaphore_mem>>, %arg19: memref<!tpu.dma_semaphore, #tpu.memory_space<semaphore_mem>>, %arg20: memref<!tpu.dma_semaphore, #tpu.memory_space<semaphore_mem>>, %arg21: memref<!tpu.dma_semaphore, #tpu.memory_space<semaphore_mem>>, %arg22: memref<!tpu.dma_semaphore, #tpu.memory_space<semaphore_mem>>, %arg23: memref<!tpu.dma_semaphore, #tpu.memory_space<semaphore_mem>>) attributes {dimension_semantics = [#tpu.dimension_semantics<core_parallel>, #tpu.dimension_semantics<subcore_parallel>], iteration_bounds = array<i64: 2, 16>, scalar_prefetch = 0 : i64, scratch_operands = 19 : i64, tpu.core_type = #tpu.core_type<sc_vector_subcore>, window_params = [{transform_indices = #map}, {transform_indices = #map1}, {transform_indices = #map1}]} {
    %mul3A = arith.constant 2 : i32
    %mul3A_0 = arith.muli %arg1, %mul3A : i32
    %add3A = arith.addi %mul3A_0, %arg0 : i32
    %mul3A_1 = arith.constant 1024 : i32
    %mul3A_2 = arith.muli %add3A, %mul3A_1 : i32
    "tpu.region"() ({
      %run_scoped3A = tpu.sem_alloc : memref<!tpu.dma_semaphore, #tpu.memory_space<semaphore_mem>>
      %dma_start3A_226 = tpu.memref_slice %arg2[%mul3A_2] : memref<32768xi32, #tpu.memory_space<hbm>> -> memref<1024xi32, #tpu.memory_space<hbm>>
      %dma_start3A_227 = tpu.memref_slice %arg2[%mul3A_2] : memref<32768xi32, #tpu.memory_space<hbm>> -> memref<1024xi32, #tpu.memory_space<hbm>>
      tpu.enqueue_dma source(%dma_start3A_227 : memref<1024xi32, #tpu.memory_space<hbm>>) target(%arg5 : memref<1024xi32, #tpu.memory_space<vmem>>) target_semaphore(%run_scoped3A : memref<!tpu.dma_semaphore, #tpu.memory_space<semaphore_mem>>)
      %dma_wait3A_228 = tpu.memref_slice %arg2[%mul3A_2] : memref<32768xi32, #tpu.memory_space<hbm>> -> memref<1024xi32, #tpu.memory_space<hbm>>
      %dma_wait3A_229 = tpu.memref_slice %arg2[%mul3A_2] : memref<32768xi32, #tpu.memory_space<hbm>> -> memref<1024xi32, #tpu.memory_space<hbm>>
      tpu.wait_dma2 semaphore(%run_scoped3A : memref<!tpu.dma_semaphore, #tpu.memory_space<semaphore_mem>>) src(%dma_wait3A_229 : memref<1024xi32, #tpu.memory_space<hbm>>) dst(%arg5 : memref<1024xi32, #tpu.memory_space<vmem>>)
      tpu.yield
    }) : () -> ()
    %dma_start3A = arith.constant 0 : i32
    %dma_start3A_3 = tpu.memref_slice %arg5[%dma_start3A] : memref<1024xi32, #tpu.memory_space<vmem>> -> memref<16xi32, #tpu.memory_space<vmem>>
    %dma_start3A_4 = arith.constant 0 : i32
    %dma_start3A_5 = arith.constant 0 : i32
    %dma_start3A_6 = tpu.memref_slice %arg3[%dma_start3A_4, %dma_start3A_5] : memref<8192x1024xf32, #tpu.memory_space<hbm>> -> memref<8192x1024xf32, #tpu.memory_space<hbm>>
    tpu.enqueue_indirect_dma source(%dma_start3A_6 : memref<8192x1024xf32, #tpu.memory_space<hbm>>) target(%arg6 : memref<16x1024xf32, #tpu.memory_space<vmem>>) offsets(%dma_start3A_3 : memref<16xi32, #tpu.memory_space<vmem>>) semaphore(%arg12 : memref<!tpu.dma_semaphore, #tpu.memory_space<semaphore_mem>>)
    %dma_start3A_7 = arith.constant 16 : i32
    %dma_start3A_8 = tpu.memref_slice %arg5[%dma_start3A_7] : memref<1024xi32, #tpu.memory_space<vmem>> -> memref<16xi32, #tpu.memory_space<vmem>>
    %dma_start3A_9 = arith.constant 0 : i32
    %dma_start3A_10 = arith.constant 0 : i32
    %dma_start3A_11 = tpu.memref_slice %arg3[%dma_start3A_9, %dma_start3A_10] : memref<8192x1024xf32, #tpu.memory_space<hbm>> -> memref<8192x1024xf32, #tpu.memory_space<hbm>>
    tpu.enqueue_indirect_dma source(%dma_start3A_11 : memref<8192x1024xf32, #tpu.memory_space<hbm>>) target(%arg7 : memref<16x1024xf32, #tpu.memory_space<vmem>>) offsets(%dma_start3A_8 : memref<16xi32, #tpu.memory_space<vmem>>) semaphore(%arg13 : memref<!tpu.dma_semaphore, #tpu.memory_space<semaphore_mem>>)
    %dma_start3A_12 = arith.constant 32 : i32
    %dma_start3A_13 = tpu.memref_slice %arg5[%dma_start3A_12] : memref<1024xi32, #tpu.memory_space<vmem>> -> memref<16xi32, #tpu.memory_space<vmem>>
    %dma_start3A_14 = arith.constant 0 : i32
    %dma_start3A_15 = arith.constant 0 : i32
    %dma_start3A_16 = tpu.memref_slice %arg3[%dma_start3A_14, %dma_start3A_15] : memref<8192x1024xf32, #tpu.memory_space<hbm>> -> memref<8192x1024xf32, #tpu.memory_space<hbm>>
    tpu.enqueue_indirect_dma source(%dma_start3A_16 : memref<8192x1024xf32, #tpu.memory_space<hbm>>) target(%arg8 : memref<16x1024xf32, #tpu.memory_space<vmem>>) offsets(%dma_start3A_13 : memref<16xi32, #tpu.memory_space<vmem>>) semaphore(%arg14 : memref<!tpu.dma_semaphore, #tpu.memory_space<semaphore_mem>>)
    %dma_wait3A = arith.constant 0 : i32
    %dma_wait3A_17 = tpu.memref_slice %arg5[%dma_wait3A] : memref<1024xi32, #tpu.memory_space<vmem>> -> memref<16xi32, #tpu.memory_space<vmem>>
    %dma_wait3A_18 = arith.constant 0 : i32
    %dma_wait3A_19 = arith.constant 0 : i32
    %dma_wait3A_20 = tpu.memref_slice %arg3[%dma_wait3A_18, %dma_wait3A_19] : memref<8192x1024xf32, #tpu.memory_space<hbm>> -> memref<8192x1024xf32, #tpu.memory_space<hbm>>
    tpu.wait_indirect_dma semaphore(%arg12 : memref<!tpu.dma_semaphore, #tpu.memory_space<semaphore_mem>>) src(%dma_wait3A_20 : memref<8192x1024xf32, #tpu.memory_space<hbm>>) dst(%arg6 : memref<16x1024xf32, #tpu.memory_space<vmem>>)
    %add3A_21 = arith.constant 0 : i32
    %add3A_22 = arith.addi %mul3A_2, %add3A_21 : i32
    %dma_start3A_23 = arith.constant 0 : i32
    %dma_start3A_24 = tpu.memref_slice %arg4[%add3A_22, %dma_start3A_23] : memref<32768x1024xf32, #tpu.memory_space<hbm>> -> memref<16x1024xf32, #tpu.memory_space<hbm>>
    %dma_start3A_25 = arith.constant 0 : i32
    %dma_start3A_26 = tpu.memref_slice %arg4[%add3A_22, %dma_start3A_25] : memref<32768x1024xf32, #tpu.memory_space<hbm>> -> memref<16x1024xf32, #tpu.memory_space<hbm>>
    tpu.enqueue_dma source(%arg6 : memref<16x1024xf32, #tpu.memory_space<vmem>>) target(%dma_start3A_26 : memref<16x1024xf32, #tpu.memory_space<hbm>>) target_semaphore(%arg18 : memref<!tpu.dma_semaphore, #tpu.memory_space<semaphore_mem>>)
    %dma_start3A_27 = arith.constant 48 : i32
    %dma_start3A_28 = tpu.memref_slice %arg5[%dma_start3A_27] : memref<1024xi32, #tpu.memory_space<vmem>> -> memref<16xi32, #tpu.memory_space<vmem>>
    %dma_start3A_29 = arith.constant 0 : i32
    %dma_start3A_30 = arith.constant 0 : i32
    %dma_start3A_31 = tpu.memref_slice %arg3[%dma_start3A_29, %dma_start3A_30] : memref<8192x1024xf32, #tpu.memory_space<hbm>> -> memref<8192x1024xf32, #tpu.memory_space<hbm>>
    tpu.enqueue_indirect_dma source(%dma_start3A_31 : memref<8192x1024xf32, #tpu.memory_space<hbm>>) target(%arg9 : memref<16x1024xf32, #tpu.memory_space<vmem>>) offsets(%dma_start3A_28 : memref<16xi32, #tpu.memory_space<vmem>>) semaphore(%arg15 : memref<!tpu.dma_semaphore, #tpu.memory_space<semaphore_mem>>)
    %dma_wait3A_32 = arith.constant 16 : i32
    %dma_wait3A_33 = tpu.memref_slice %arg5[%dma_wait3A_32] : memref<1024xi32, #tpu.memory_space<vmem>> -> memref<16xi32, #tpu.memory_space<vmem>>
    %dma_wait3A_34 = arith.constant 0 : i32
    %dma_wait3A_35 = arith.constant 0 : i32
    %dma_wait3A_36 = tpu.memref_slice %arg3[%dma_wait3A_34, %dma_wait3A_35] : memref<8192x1024xf32, #tpu.memory_space<hbm>> -> memref<8192x1024xf32, #tpu.memory_space<hbm>>
    tpu.wait_indirect_dma semaphore(%arg13 : memref<!tpu.dma_semaphore, #tpu.memory_space<semaphore_mem>>) src(%dma_wait3A_36 : memref<8192x1024xf32, #tpu.memory_space<hbm>>) dst(%arg7 : memref<16x1024xf32, #tpu.memory_space<vmem>>)
    %add3A_37 = arith.constant 16 : i32
    %add3A_38 = arith.addi %mul3A_2, %add3A_37 : i32
    %dma_start3A_39 = arith.constant 0 : i32
    %dma_start3A_40 = tpu.memref_slice %arg4[%add3A_38, %dma_start3A_39] : memref<32768x1024xf32, #tpu.memory_space<hbm>> -> memref<16x1024xf32, #tpu.memory_space<hbm>>
    %dma_start3A_41 = arith.constant 0 : i32
    %dma_start3A_42 = tpu.memref_slice %arg4[%add3A_38, %dma_start3A_41] : memref<32768x1024xf32, #tpu.memory_space<hbm>> -> memref<16x1024xf32, #tpu.memory_space<hbm>>
    tpu.enqueue_dma source(%arg7 : memref<16x1024xf32, #tpu.memory_space<vmem>>) target(%dma_start3A_42 : memref<16x1024xf32, #tpu.memory_space<hbm>>) target_semaphore(%arg19 : memref<!tpu.dma_semaphore, #tpu.memory_space<semaphore_mem>>)
    %dma_start3A_43 = arith.constant 64 : i32
    %dma_start3A_44 = tpu.memref_slice %arg5[%dma_start3A_43] : memref<1024xi32, #tpu.memory_space<vmem>> -> memref<16xi32, #tpu.memory_space<vmem>>
    %dma_start3A_45 = arith.constant 0 : i32
    %dma_start3A_46 = arith.constant 0 : i32
    %dma_start3A_47 = tpu.memref_slice %arg3[%dma_start3A_45, %dma_start3A_46] : memref<8192x1024xf32, #tpu.memory_space<hbm>> -> memref<8192x1024xf32, #tpu.memory_space<hbm>>
    tpu.enqueue_indirect_dma source(%dma_start3A_47 : memref<8192x1024xf32, #tpu.memory_space<hbm>>) target(%arg10 : memref<16x1024xf32, #tpu.memory_space<vmem>>) offsets(%dma_start3A_44 : memref<16xi32, #tpu.memory_space<vmem>>) semaphore(%arg16 : memref<!tpu.dma_semaphore, #tpu.memory_space<semaphore_mem>>)
    %dma_wait3A_48 = arith.constant 32 : i32
    %dma_wait3A_49 = tpu.memref_slice %arg5[%dma_wait3A_48] : memref<1024xi32, #tpu.memory_space<vmem>> -> memref<16xi32, #tpu.memory_space<vmem>>
    %dma_wait3A_50 = arith.constant 0 : i32
    %dma_wait3A_51 = arith.constant 0 : i32
    %dma_wait3A_52 = tpu.memref_slice %arg3[%dma_wait3A_50, %dma_wait3A_51] : memref<8192x1024xf32, #tpu.memory_space<hbm>> -> memref<8192x1024xf32, #tpu.memory_space<hbm>>
    tpu.wait_indirect_dma semaphore(%arg14 : memref<!tpu.dma_semaphore, #tpu.memory_space<semaphore_mem>>) src(%dma_wait3A_52 : memref<8192x1024xf32, #tpu.memory_space<hbm>>) dst(%arg8 : memref<16x1024xf32, #tpu.memory_space<vmem>>)
    %add3A_53 = arith.constant 32 : i32
    %add3A_54 = arith.addi %mul3A_2, %add3A_53 : i32
    %dma_start3A_55 = arith.constant 0 : i32
    %dma_start3A_56 = tpu.memref_slice %arg4[%add3A_54, %dma_start3A_55] : memref<32768x1024xf32, #tpu.memory_space<hbm>> -> memref<16x1024xf32, #tpu.memory_space<hbm>>
    %dma_start3A_57 = arith.constant 0 : i32
    %dma_start3A_58 = tpu.memref_slice %arg4[%add3A_54, %dma_start3A_57] : memref<32768x1024xf32, #tpu.memory_space<hbm>> -> memref<16x1024xf32, #tpu.memory_space<hbm>>
    tpu.enqueue_dma source(%arg8 : memref<16x1024xf32, #tpu.memory_space<vmem>>) target(%dma_start3A_58 : memref<16x1024xf32, #tpu.memory_space<hbm>>) target_semaphore(%arg20 : memref<!tpu.dma_semaphore, #tpu.memory_space<semaphore_mem>>)
    %dma_start3A_59 = arith.constant 80 : i32
    %dma_start3A_60 = tpu.memref_slice %arg5[%dma_start3A_59] : memref<1024xi32, #tpu.memory_space<vmem>> -> memref<16xi32, #tpu.memory_space<vmem>>
    %dma_start3A_61 = arith.constant 0 : i32
    %dma_start3A_62 = arith.constant 0 : i32
    %dma_start3A_63 = tpu.memref_slice %arg3[%dma_start3A_61, %dma_start3A_62] : memref<8192x1024xf32, #tpu.memory_space<hbm>> -> memref<8192x1024xf32, #tpu.memory_space<hbm>>
    tpu.enqueue_indirect_dma source(%dma_start3A_63 : memref<8192x1024xf32, #tpu.memory_space<hbm>>) target(%arg11 : memref<16x1024xf32, #tpu.memory_space<vmem>>) offsets(%dma_start3A_60 : memref<16xi32, #tpu.memory_space<vmem>>) semaphore(%arg17 : memref<!tpu.dma_semaphore, #tpu.memory_space<semaphore_mem>>)
    %scan3A = arith.constant 0 : i32
    %scan3A_64 = arith.constant 0 : i32
    %scan3A_65 = arith.constant 9 : i32
    %scan3A_66 = arith.addi %scan3A_64, %scan3A_65 : i32
    %scan3A_67 = arith.constant 1 : i32
    scf.for %scan3A_226 = %scan3A_64 to %scan3A_66 step %scan3A_67  : i32 {
      %mul3A_227 = arith.constant 6 : i32
      %mul3A_228 = arith.muli %mul3A_227, %scan3A_226 : i32
      %add3A_229 = arith.constant 3 : i32
      %add3A_230 = arith.addi %mul3A_228, %add3A_229 : i32
      %add3A_231 = arith.constant 0 : i32
      %add3A_232 = arith.addi %add3A_230, %add3A_231 : i32
      %mul3A_233 = arith.constant 16 : i32
      %mul3A_234 = arith.muli %add3A_232, %mul3A_233 : i32
      %dma_wait3A_235 = tpu.memref_slice %arg5[%mul3A_234] : memref<1024xi32, #tpu.memory_space<vmem>> -> memref<16xi32, #tpu.memory_space<vmem>>
      %dma_wait3A_236 = arith.constant 0 : i32
      %dma_wait3A_237 = arith.constant 0 : i32
      %dma_wait3A_238 = tpu.memref_slice %arg3[%dma_wait3A_236, %dma_wait3A_237] : memref<8192x1024xf32, #tpu.memory_space<hbm>> -> memref<8192x1024xf32, #tpu.memory_space<hbm>>
      tpu.wait_indirect_dma semaphore(%arg15 : memref<!tpu.dma_semaphore, #tpu.memory_space<semaphore_mem>>) src(%dma_wait3A_238 : memref<8192x1024xf32, #tpu.memory_space<hbm>>) dst(%arg9 : memref<16x1024xf32, #tpu.memory_space<vmem>>)
      %mul3A_239 = arith.constant 16 : i32
      %mul3A_240 = arith.muli %add3A_232, %mul3A_239 : i32
      %add3A_241 = arith.addi %mul3A_2, %mul3A_240 : i32
      %dma_start3A_242 = arith.constant 0 : i32
      %dma_start3A_243 = tpu.memref_slice %arg4[%add3A_241, %dma_start3A_242] : memref<32768x1024xf32, #tpu.memory_space<hbm>> -> memref<16x1024xf32, #tpu.memory_space<hbm>>
      %dma_start3A_244 = arith.constant 0 : i32
      %dma_start3A_245 = tpu.memref_slice %arg4[%add3A_241, %dma_start3A_244] : memref<32768x1024xf32, #tpu.memory_space<hbm>> -> memref<16x1024xf32, #tpu.memory_space<hbm>>
      tpu.enqueue_dma source(%arg9 : memref<16x1024xf32, #tpu.memory_space<vmem>>) target(%dma_start3A_245 : memref<16x1024xf32, #tpu.memory_space<hbm>>) target_semaphore(%arg21 : memref<!tpu.dma_semaphore, #tpu.memory_space<semaphore_mem>>)
      %sub3A = arith.constant 3 : i32
      %sub3A_246 = arith.subi %add3A_232, %sub3A : i32
      %mul3A_247 = arith.constant 16 : i32
      %mul3A_248 = arith.muli %sub3A_246, %mul3A_247 : i32
      %add3A_249 = arith.addi %mul3A_2, %mul3A_248 : i32
      %dma_wait3A_250 = arith.constant 0 : i32
      %dma_wait3A_251 = tpu.memref_slice %arg4[%add3A_249, %dma_wait3A_250] : memref<32768x1024xf32, #tpu.memory_space<hbm>> -> memref<16x1024xf32, #tpu.memory_space<hbm>>
      %dma_wait3A_252 = arith.constant 0 : i32
      %dma_wait3A_253 = tpu.memref_slice %arg4[%add3A_249, %dma_wait3A_252] : memref<32768x1024xf32, #tpu.memory_space<hbm>> -> memref<16x1024xf32, #tpu.memory_space<hbm>>
      tpu.wait_dma2 semaphore(%arg18 : memref<!tpu.dma_semaphore, #tpu.memory_space<semaphore_mem>>) src(%arg6 : memref<16x1024xf32, #tpu.memory_space<vmem>>) dst(%dma_wait3A_253 : memref<16x1024xf32, #tpu.memory_space<hbm>>)
      %add3A_254 = arith.constant 3 : i32
      %add3A_255 = arith.addi %add3A_232, %add3A_254 : i32
      %mul3A_256 = arith.constant 16 : i32
      %mul3A_257 = arith.muli %add3A_255, %mul3A_256 : i32
      %dma_start3A_258 = tpu.memref_slice %arg5[%mul3A_257] : memref<1024xi32, #tpu.memory_space<vmem>> -> memref<16xi32, #tpu.memory_space<vmem>>
      %dma_start3A_259 = arith.constant 0 : i32
      %dma_start3A_260 = arith.constant 0 : i32
      %dma_start3A_261 = tpu.memref_slice %arg3[%dma_start3A_259, %dma_start3A_260] : memref<8192x1024xf32, #tpu.memory_space<hbm>> -> memref<8192x1024xf32, #tpu.memory_space<hbm>>
      tpu.enqueue_indirect_dma source(%dma_start3A_261 : memref<8192x1024xf32, #tpu.memory_space<hbm>>) target(%arg6 : memref<16x1024xf32, #tpu.memory_space<vmem>>) offsets(%dma_start3A_258 : memref<16xi32, #tpu.memory_space<vmem>>) semaphore(%arg12 : memref<!tpu.dma_semaphore, #tpu.memory_space<semaphore_mem>>)
      %add3A_262 = arith.constant 1 : i32
      %add3A_263 = arith.addi %add3A_230, %add3A_262 : i32
      %mul3A_264 = arith.constant 16 : i32
      %mul3A_265 = arith.muli %add3A_263, %mul3A_264 : i32
      %dma_wait3A_266 = tpu.memref_slice %arg5[%mul3A_265] : memref<1024xi32, #tpu.memory_space<vmem>> -> memref<16xi32, #tpu.memory_space<vmem>>
      %dma_wait3A_267 = arith.constant 0 : i32
      %dma_wait3A_268 = arith.constant 0 : i32
      %dma_wait3A_269 = tpu.memref_slice %arg3[%dma_wait3A_267, %dma_wait3A_268] : memref<8192x1024xf32, #tpu.memory_space<hbm>> -> memref<8192x1024xf32, #tpu.memory_space<hbm>>
      tpu.wait_indirect_dma semaphore(%arg16 : memref<!tpu.dma_semaphore, #tpu.memory_space<semaphore_mem>>) src(%dma_wait3A_269 : memref<8192x1024xf32, #tpu.memory_space<hbm>>) dst(%arg10 : memref<16x1024xf32, #tpu.memory_space<vmem>>)
      %mul3A_270 = arith.constant 16 : i32
      %mul3A_271 = arith.muli %add3A_263, %mul3A_270 : i32
      %add3A_272 = arith.addi %mul3A_2, %mul3A_271 : i32
      %dma_start3A_273 = arith.constant 0 : i32
      %dma_start3A_274 = tpu.memref_slice %arg4[%add3A_272, %dma_start3A_273] : memref<32768x1024xf32, #tpu.memory_space<hbm>> -> memref<16x1024xf32, #tpu.memory_space<hbm>>
      %dma_start3A_275 = arith.constant 0 : i32
      %dma_start3A_276 = tpu.memref_slice %arg4[%add3A_272, %dma_start3A_275] : memref<32768x1024xf32, #tpu.memory_space<hbm>> -> memref<16x1024xf32, #tpu.memory_space<hbm>>
      tpu.enqueue_dma source(%arg10 : memref<16x1024xf32, #tpu.memory_space<vmem>>) target(%dma_start3A_276 : memref<16x1024xf32, #tpu.memory_space<hbm>>) target_semaphore(%arg22 : memref<!tpu.dma_semaphore, #tpu.memory_space<semaphore_mem>>)
      %sub3A_277 = arith.constant 3 : i32
      %sub3A_278 = arith.subi %add3A_263, %sub3A_277 : i32
      %mul3A_279 = arith.constant 16 : i32
      %mul3A_280 = arith.muli %sub3A_278, %mul3A_279 : i32
      %add3A_281 = arith.addi %mul3A_2, %mul3A_280 : i32
      %dma_wait3A_282 = arith.constant 0 : i32
      %dma_wait3A_283 = tpu.memref_slice %arg4[%add3A_281, %dma_wait3A_282] : memref<32768x1024xf32, #tpu.memory_space<hbm>> -> memref<16x1024xf32, #tpu.memory_space<hbm>>
      %dma_wait3A_284 = arith.constant 0 : i32
      %dma_wait3A_285 = tpu.memref_slice %arg4[%add3A_281, %dma_wait3A_284] : memref<32768x1024xf32, #tpu.memory_space<hbm>> -> memref<16x1024xf32, #tpu.memory_space<hbm>>
      tpu.wait_dma2 semaphore(%arg19 : memref<!tpu.dma_semaphore, #tpu.memory_space<semaphore_mem>>) src(%arg7 : memref<16x1024xf32, #tpu.memory_space<vmem>>) dst(%dma_wait3A_285 : memref<16x1024xf32, #tpu.memory_space<hbm>>)
      %add3A_286 = arith.constant 3 : i32
      %add3A_287 = arith.addi %add3A_263, %add3A_286 : i32
      %mul3A_288 = arith.constant 16 : i32
      %mul3A_289 = arith.muli %add3A_287, %mul3A_288 : i32
      %dma_start3A_290 = tpu.memref_slice %arg5[%mul3A_289] : memref<1024xi32, #tpu.memory_space<vmem>> -> memref<16xi32, #tpu.memory_space<vmem>>
      %dma_start3A_291 = arith.constant 0 : i32
      %dma_start3A_292 = arith.constant 0 : i32
      %dma_start3A_293 = tpu.memref_slice %arg3[%dma_start3A_291, %dma_start3A_292] : memref<8192x1024xf32, #tpu.memory_space<hbm>> -> memref<8192x1024xf32, #tpu.memory_space<hbm>>
      tpu.enqueue_indirect_dma source(%dma_start3A_293 : memref<8192x1024xf32, #tpu.memory_space<hbm>>) target(%arg7 : memref<16x1024xf32, #tpu.memory_space<vmem>>) offsets(%dma_start3A_290 : memref<16xi32, #tpu.memory_space<vmem>>) semaphore(%arg13 : memref<!tpu.dma_semaphore, #tpu.memory_space<semaphore_mem>>)
      %add3A_294 = arith.constant 2 : i32
      %add3A_295 = arith.addi %add3A_230, %add3A_294 : i32
      %mul3A_296 = arith.constant 16 : i32
      %mul3A_297 = arith.muli %add3A_295, %mul3A_296 : i32
      %dma_wait3A_298 = tpu.memref_slice %arg5[%mul3A_297] : memref<1024xi32, #tpu.memory_space<vmem>> -> memref<16xi32, #tpu.memory_space<vmem>>
      %dma_wait3A_299 = arith.constant 0 : i32
      %dma_wait3A_300 = arith.constant 0 : i32
      %dma_wait3A_301 = tpu.memref_slice %arg3[%dma_wait3A_299, %dma_wait3A_300] : memref<8192x1024xf32, #tpu.memory_space<hbm>> -> memref<8192x1024xf32, #tpu.memory_space<hbm>>
      tpu.wait_indirect_dma semaphore(%arg17 : memref<!tpu.dma_semaphore, #tpu.memory_space<semaphore_mem>>) src(%dma_wait3A_301 : memref<8192x1024xf32, #tpu.memory_space<hbm>>) dst(%arg11 : memref<16x1024xf32, #tpu.memory_space<vmem>>)
      %mul3A_302 = arith.constant 16 : i32
      %mul3A_303 = arith.muli %add3A_295, %mul3A_302 : i32
      %add3A_304 = arith.addi %mul3A_2, %mul3A_303 : i32
      %dma_start3A_305 = arith.constant 0 : i32
      %dma_start3A_306 = tpu.memref_slice %arg4[%add3A_304, %dma_start3A_305] : memref<32768x1024xf32, #tpu.memory_space<hbm>> -> memref<16x1024xf32, #tpu.memory_space<hbm>>
      %dma_start3A_307 = arith.constant 0 : i32
      %dma_start3A_308 = tpu.memref_slice %arg4[%add3A_304, %dma_start3A_307] : memref<32768x1024xf32, #tpu.memory_space<hbm>> -> memref<16x1024xf32, #tpu.memory_space<hbm>>
      tpu.enqueue_dma source(%arg11 : memref<16x1024xf32, #tpu.memory_space<vmem>>) target(%dma_start3A_308 : memref<16x1024xf32, #tpu.memory_space<hbm>>) target_semaphore(%arg23 : memref<!tpu.dma_semaphore, #tpu.memory_space<semaphore_mem>>)
      %sub3A_309 = arith.constant 3 : i32
      %sub3A_310 = arith.subi %add3A_295, %sub3A_309 : i32
      %mul3A_311 = arith.constant 16 : i32
      %mul3A_312 = arith.muli %sub3A_310, %mul3A_311 : i32
      %add3A_313 = arith.addi %mul3A_2, %mul3A_312 : i32
      %dma_wait3A_314 = arith.constant 0 : i32
      %dma_wait3A_315 = tpu.memref_slice %arg4[%add3A_313, %dma_wait3A_314] : memref<32768x1024xf32, #tpu.memory_space<hbm>> -> memref<16x1024xf32, #tpu.memory_space<hbm>>
      %dma_wait3A_316 = arith.constant 0 : i32
      %dma_wait3A_317 = tpu.memref_slice %arg4[%add3A_313, %dma_wait3A_316] : memref<32768x1024xf32, #tpu.memory_space<hbm>> -> memref<16x1024xf32, #tpu.memory_space<hbm>>
      tpu.wait_dma2 semaphore(%arg20 : memref<!tpu.dma_semaphore, #tpu.memory_space<semaphore_mem>>) src(%arg8 : memref<16x1024xf32, #tpu.memory_space<vmem>>) dst(%dma_wait3A_317 : memref<16x1024xf32, #tpu.memory_space<hbm>>)
      %add3A_318 = arith.constant 3 : i32
      %add3A_319 = arith.addi %add3A_295, %add3A_318 : i32
      %mul3A_320 = arith.constant 16 : i32
      %mul3A_321 = arith.muli %add3A_319, %mul3A_320 : i32
      %dma_start3A_322 = tpu.memref_slice %arg5[%mul3A_321] : memref<1024xi32, #tpu.memory_space<vmem>> -> memref<16xi32, #tpu.memory_space<vmem>>
      %dma_start3A_323 = arith.constant 0 : i32
      %dma_start3A_324 = arith.constant 0 : i32
      %dma_start3A_325 = tpu.memref_slice %arg3[%dma_start3A_323, %dma_start3A_324] : memref<8192x1024xf32, #tpu.memory_space<hbm>> -> memref<8192x1024xf32, #tpu.memory_space<hbm>>
      tpu.enqueue_indirect_dma source(%dma_start3A_325 : memref<8192x1024xf32, #tpu.memory_space<hbm>>) target(%arg8 : memref<16x1024xf32, #tpu.memory_space<vmem>>) offsets(%dma_start3A_322 : memref<16xi32, #tpu.memory_space<vmem>>) semaphore(%arg14 : memref<!tpu.dma_semaphore, #tpu.memory_space<semaphore_mem>>)
      %add3A_326 = arith.constant 3 : i32
      %add3A_327 = arith.addi %add3A_230, %add3A_326 : i32
      %mul3A_328 = arith.constant 16 : i32
      %mul3A_329 = arith.muli %add3A_327, %mul3A_328 : i32
      %dma_wait3A_330 = tpu.memref_slice %arg5[%mul3A_329] : memref<1024xi32, #tpu.memory_space<vmem>> -> memref<16xi32, #tpu.memory_space<vmem>>
      %dma_wait3A_331 = arith.constant 0 : i32
      %dma_wait3A_332 = arith.constant 0 : i32
      %dma_wait3A_333 = tpu.memref_slice %arg3[%dma_wait3A_331, %dma_wait3A_332] : memref<8192x1024xf32, #tpu.memory_space<hbm>> -> memref<8192x1024xf32, #tpu.memory_space<hbm>>
      tpu.wait_indirect_dma semaphore(%arg12 : memref<!tpu.dma_semaphore, #tpu.memory_space<semaphore_mem>>) src(%dma_wait3A_333 : memref<8192x1024xf32, #tpu.memory_space<hbm>>) dst(%arg6 : memref<16x1024xf32, #tpu.memory_space<vmem>>)
      %mul3A_334 = arith.constant 16 : i32
      %mul3A_335 = arith.muli %add3A_327, %mul3A_334 : i32
      %add3A_336 = arith.addi %mul3A_2, %mul3A_335 : i32
      %dma_start3A_337 = arith.constant 0 : i32
      %dma_start3A_338 = tpu.memref_slice %arg4[%add3A_336, %dma_start3A_337] : memref<32768x1024xf32, #tpu.memory_space<hbm>> -> memref<16x1024xf32, #tpu.memory_space<hbm>>
      %dma_start3A_339 = arith.constant 0 : i32
      %dma_start3A_340 = tpu.memref_slice %arg4[%add3A_336, %dma_start3A_339] : memref<32768x1024xf32, #tpu.memory_space<hbm>> -> memref<16x1024xf32, #tpu.memory_space<hbm>>
      tpu.enqueue_dma source(%arg6 : memref<16x1024xf32, #tpu.memory_space<vmem>>) target(%dma_start3A_340 : memref<16x1024xf32, #tpu.memory_space<hbm>>) target_semaphore(%arg18 : memref<!tpu.dma_semaphore, #tpu.memory_space<semaphore_mem>>)
      %sub3A_341 = arith.constant 3 : i32
      %sub3A_342 = arith.subi %add3A_327, %sub3A_341 : i32
      %mul3A_343 = arith.constant 16 : i32
      %mul3A_344 = arith.muli %sub3A_342, %mul3A_343 : i32
      %add3A_345 = arith.addi %mul3A_2, %mul3A_344 : i32
      %dma_wait3A_346 = arith.constant 0 : i32
      %dma_wait3A_347 = tpu.memref_slice %arg4[%add3A_345, %dma_wait3A_346] : memref<32768x1024xf32, #tpu.memory_space<hbm>> -> memref<16x1024xf32, #tpu.memory_space<hbm>>
      %dma_wait3A_348 = arith.constant 0 : i32
      %dma_wait3A_349 = tpu.memref_slice %arg4[%add3A_345, %dma_wait3A_348] : memref<32768x1024xf32, #tpu.memory_space<hbm>> -> memref<16x1024xf32, #tpu.memory_space<hbm>>
      tpu.wait_dma2 semaphore(%arg21 : memref<!tpu.dma_semaphore, #tpu.memory_space<semaphore_mem>>) src(%arg9 : memref<16x1024xf32, #tpu.memory_space<vmem>>) dst(%dma_wait3A_349 : memref<16x1024xf32, #tpu.memory_space<hbm>>)
      %add3A_350 = arith.constant 3 : i32
      %add3A_351 = arith.addi %add3A_327, %add3A_350 : i32
      %mul3A_352 = arith.constant 16 : i32
      %mul3A_353 = arith.muli %add3A_351, %mul3A_352 : i32
      %dma_start3A_354 = tpu.memref_slice %arg5[%mul3A_353] : memref<1024xi32, #tpu.memory_space<vmem>> -> memref<16xi32, #tpu.memory_space<vmem>>
      %dma_start3A_355 = arith.constant 0 : i32
      %dma_start3A_356 = arith.constant 0 : i32
      %dma_start3A_357 = tpu.memref_slice %arg3[%dma_start3A_355, %dma_start3A_356] : memref<8192x1024xf32, #tpu.memory_space<hbm>> -> memref<8192x1024xf32, #tpu.memory_space<hbm>>
      tpu.enqueue_indirect_dma source(%dma_start3A_357 : memref<8192x1024xf32, #tpu.memory_space<hbm>>) target(%arg9 : memref<16x1024xf32, #tpu.memory_space<vmem>>) offsets(%dma_start3A_354 : memref<16xi32, #tpu.memory_space<vmem>>) semaphore(%arg15 : memref<!tpu.dma_semaphore, #tpu.memory_space<semaphore_mem>>)
      %add3A_358 = arith.constant 4 : i32
      %add3A_359 = arith.addi %add3A_230, %add3A_358 : i32
      %mul3A_360 = arith.constant 16 : i32
      %mul3A_361 = arith.muli %add3A_359, %mul3A_360 : i32
      %dma_wait3A_362 = tpu.memref_slice %arg5[%mul3A_361] : memref<1024xi32, #tpu.memory_space<vmem>> -> memref<16xi32, #tpu.memory_space<vmem>>
      %dma_wait3A_363 = arith.constant 0 : i32
      %dma_wait3A_364 = arith.constant 0 : i32
      %dma_wait3A_365 = tpu.memref_slice %arg3[%dma_wait3A_363, %dma_wait3A_364] : memref<8192x1024xf32, #tpu.memory_space<hbm>> -> memref<8192x1024xf32, #tpu.memory_space<hbm>>
      tpu.wait_indirect_dma semaphore(%arg13 : memref<!tpu.dma_semaphore, #tpu.memory_space<semaphore_mem>>) src(%dma_wait3A_365 : memref<8192x1024xf32, #tpu.memory_space<hbm>>) dst(%arg7 : memref<16x1024xf32, #tpu.memory_space<vmem>>)
      %mul3A_366 = arith.constant 16 : i32
      %mul3A_367 = arith.muli %add3A_359, %mul3A_366 : i32
      %add3A_368 = arith.addi %mul3A_2, %mul3A_367 : i32
      %dma_start3A_369 = arith.constant 0 : i32
      %dma_start3A_370 = tpu.memref_slice %arg4[%add3A_368, %dma_start3A_369] : memref<32768x1024xf32, #tpu.memory_space<hbm>> -> memref<16x1024xf32, #tpu.memory_space<hbm>>
      %dma_start3A_371 = arith.constant 0 : i32
      %dma_start3A_372 = tpu.memref_slice %arg4[%add3A_368, %dma_start3A_371] : memref<32768x1024xf32, #tpu.memory_space<hbm>> -> memref<16x1024xf32, #tpu.memory_space<hbm>>
      tpu.enqueue_dma source(%arg7 : memref<16x1024xf32, #tpu.memory_space<vmem>>) target(%dma_start3A_372 : memref<16x1024xf32, #tpu.memory_space<hbm>>) target_semaphore(%arg19 : memref<!tpu.dma_semaphore, #tpu.memory_space<semaphore_mem>>)
      %sub3A_373 = arith.constant 3 : i32
      %sub3A_374 = arith.subi %add3A_359, %sub3A_373 : i32
      %mul3A_375 = arith.constant 16 : i32
      %mul3A_376 = arith.muli %sub3A_374, %mul3A_375 : i32
      %add3A_377 = arith.addi %mul3A_2, %mul3A_376 : i32
      %dma_wait3A_378 = arith.constant 0 : i32
      %dma_wait3A_379 = tpu.memref_slice %arg4[%add3A_377, %dma_wait3A_378] : memref<32768x1024xf32, #tpu.memory_space<hbm>> -> memref<16x1024xf32, #tpu.memory_space<hbm>>
      %dma_wait3A_380 = arith.constant 0 : i32
      %dma_wait3A_381 = tpu.memref_slice %arg4[%add3A_377, %dma_wait3A_380] : memref<32768x1024xf32, #tpu.memory_space<hbm>> -> memref<16x1024xf32, #tpu.memory_space<hbm>>
      tpu.wait_dma2 semaphore(%arg22 : memref<!tpu.dma_semaphore, #tpu.memory_space<semaphore_mem>>) src(%arg10 : memref<16x1024xf32, #tpu.memory_space<vmem>>) dst(%dma_wait3A_381 : memref<16x1024xf32, #tpu.memory_space<hbm>>)
      %add3A_382 = arith.constant 3 : i32
      %add3A_383 = arith.addi %add3A_359, %add3A_382 : i32
      %mul3A_384 = arith.constant 16 : i32
      %mul3A_385 = arith.muli %add3A_383, %mul3A_384 : i32
      %dma_start3A_386 = tpu.memref_slice %arg5[%mul3A_385] : memref<1024xi32, #tpu.memory_space<vmem>> -> memref<16xi32, #tpu.memory_space<vmem>>
      %dma_start3A_387 = arith.constant 0 : i32
      %dma_start3A_388 = arith.constant 0 : i32
      %dma_start3A_389 = tpu.memref_slice %arg3[%dma_start3A_387, %dma_start3A_388] : memref<8192x1024xf32, #tpu.memory_space<hbm>> -> memref<8192x1024xf32, #tpu.memory_space<hbm>>
      tpu.enqueue_indirect_dma source(%dma_start3A_389 : memref<8192x1024xf32, #tpu.memory_space<hbm>>) target(%arg10 : memref<16x1024xf32, #tpu.memory_space<vmem>>) offsets(%dma_start3A_386 : memref<16xi32, #tpu.memory_space<vmem>>) semaphore(%arg16 : memref<!tpu.dma_semaphore, #tpu.memory_space<semaphore_mem>>)
      %add3A_390 = arith.constant 5 : i32
      %add3A_391 = arith.addi %add3A_230, %add3A_390 : i32
      %mul3A_392 = arith.constant 16 : i32
      %mul3A_393 = arith.muli %add3A_391, %mul3A_392 : i32
      %dma_wait3A_394 = tpu.memref_slice %arg5[%mul3A_393] : memref<1024xi32, #tpu.memory_space<vmem>> -> memref<16xi32, #tpu.memory_space<vmem>>
      %dma_wait3A_395 = arith.constant 0 : i32
      %dma_wait3A_396 = arith.constant 0 : i32
      %dma_wait3A_397 = tpu.memref_slice %arg3[%dma_wait3A_395, %dma_wait3A_396] : memref<8192x1024xf32, #tpu.memory_space<hbm>> -> memref<8192x1024xf32, #tpu.memory_space<hbm>>
      tpu.wait_indirect_dma semaphore(%arg14 : memref<!tpu.dma_semaphore, #tpu.memory_space<semaphore_mem>>) src(%dma_wait3A_397 : memref<8192x1024xf32, #tpu.memory_space<hbm>>) dst(%arg8 : memref<16x1024xf32, #tpu.memory_space<vmem>>)
      %mul3A_398 = arith.constant 16 : i32
      %mul3A_399 = arith.muli %add3A_391, %mul3A_398 : i32
      %add3A_400 = arith.addi %mul3A_2, %mul3A_399 : i32
      %dma_start3A_401 = arith.constant 0 : i32
      %dma_start3A_402 = tpu.memref_slice %arg4[%add3A_400, %dma_start3A_401] : memref<32768x1024xf32, #tpu.memory_space<hbm>> -> memref<16x1024xf32, #tpu.memory_space<hbm>>
      %dma_start3A_403 = arith.constant 0 : i32
      %dma_start3A_404 = tpu.memref_slice %arg4[%add3A_400, %dma_start3A_403] : memref<32768x1024xf32, #tpu.memory_space<hbm>> -> memref<16x1024xf32, #tpu.memory_space<hbm>>
      tpu.enqueue_dma source(%arg8 : memref<16x1024xf32, #tpu.memory_space<vmem>>) target(%dma_start3A_404 : memref<16x1024xf32, #tpu.memory_space<hbm>>) target_semaphore(%arg20 : memref<!tpu.dma_semaphore, #tpu.memory_space<semaphore_mem>>)
      %sub3A_405 = arith.constant 3 : i32
      %sub3A_406 = arith.subi %add3A_391, %sub3A_405 : i32
      %mul3A_407 = arith.constant 16 : i32
      %mul3A_408 = arith.muli %sub3A_406, %mul3A_407 : i32
      %add3A_409 = arith.addi %mul3A_2, %mul3A_408 : i32
      %dma_wait3A_410 = arith.constant 0 : i32
      %dma_wait3A_411 = tpu.memref_slice %arg4[%add3A_409, %dma_wait3A_410] : memref<32768x1024xf32, #tpu.memory_space<hbm>> -> memref<16x1024xf32, #tpu.memory_space<hbm>>
      %dma_wait3A_412 = arith.constant 0 : i32
      %dma_wait3A_413 = tpu.memref_slice %arg4[%add3A_409, %dma_wait3A_412] : memref<32768x1024xf32, #tpu.memory_space<hbm>> -> memref<16x1024xf32, #tpu.memory_space<hbm>>
      tpu.wait_dma2 semaphore(%arg23 : memref<!tpu.dma_semaphore, #tpu.memory_space<semaphore_mem>>) src(%arg11 : memref<16x1024xf32, #tpu.memory_space<vmem>>) dst(%dma_wait3A_413 : memref<16x1024xf32, #tpu.memory_space<hbm>>)
      %add3A_414 = arith.constant 3 : i32
      %add3A_415 = arith.addi %add3A_391, %add3A_414 : i32
      %mul3A_416 = arith.constant 16 : i32
      %mul3A_417 = arith.muli %add3A_415, %mul3A_416 : i32
      %dma_start3A_418 = tpu.memref_slice %arg5[%mul3A_417] : memref<1024xi32, #tpu.memory_space<vmem>> -> memref<16xi32, #tpu.memory_space<vmem>>
      %dma_start3A_419 = arith.constant 0 : i32
      %dma_start3A_420 = arith.constant 0 : i32
      %dma_start3A_421 = tpu.memref_slice %arg3[%dma_start3A_419, %dma_start3A_420] : memref<8192x1024xf32, #tpu.memory_space<hbm>> -> memref<8192x1024xf32, #tpu.memory_space<hbm>>
      tpu.enqueue_indirect_dma source(%dma_start3A_421 : memref<8192x1024xf32, #tpu.memory_space<hbm>>) target(%arg11 : memref<16x1024xf32, #tpu.memory_space<vmem>>) offsets(%dma_start3A_418 : memref<16xi32, #tpu.memory_space<vmem>>) semaphore(%arg17 : memref<!tpu.dma_semaphore, #tpu.memory_space<semaphore_mem>>)
    }
    %scan3A_68 = arith.constant 9 : i32
    %dma_wait3A_69 = arith.constant 912 : i32
    %dma_wait3A_70 = tpu.memref_slice %arg5[%dma_wait3A_69] : memref<1024xi32, #tpu.memory_space<vmem>> -> memref<16xi32, #tpu.memory_space<vmem>>
    %dma_wait3A_71 = arith.constant 0 : i32
    %dma_wait3A_72 = arith.constant 0 : i32
    %dma_wait3A_73 = tpu.memref_slice %arg3[%dma_wait3A_71, %dma_wait3A_72] : memref<8192x1024xf32, #tpu.memory_space<hbm>> -> memref<8192x1024xf32, #tpu.memory_space<hbm>>
    tpu.wait_indirect_dma semaphore(%arg15 : memref<!tpu.dma_semaphore, #tpu.memory_space<semaphore_mem>>) src(%dma_wait3A_73 : memref<8192x1024xf32, #tpu.memory_space<hbm>>) dst(%arg9 : memref<16x1024xf32, #tpu.memory_space<vmem>>)
    %add3A_74 = arith.constant 912 : i32
    %add3A_75 = arith.addi %mul3A_2, %add3A_74 : i32
    %dma_start3A_76 = arith.constant 0 : i32
    %dma_start3A_77 = tpu.memref_slice %arg4[%add3A_75, %dma_start3A_76] : memref<32768x1024xf32, #tpu.memory_space<hbm>> -> memref<16x1024xf32, #tpu.memory_space<hbm>>
    %dma_start3A_78 = arith.constant 0 : i32
    %dma_start3A_79 = tpu.memref_slice %arg4[%add3A_75, %dma_start3A_78] : memref<32768x1024xf32, #tpu.memory_space<hbm>> -> memref<16x1024xf32, #tpu.memory_space<hbm>>
    tpu.enqueue_dma source(%arg9 : memref<16x1024xf32, #tpu.memory_space<vmem>>) target(%dma_start3A_79 : memref<16x1024xf32, #tpu.memory_space<hbm>>) target_semaphore(%arg21 : memref<!tpu.dma_semaphore, #tpu.memory_space<semaphore_mem>>)
    %add3A_80 = arith.constant 864 : i32
    %add3A_81 = arith.addi %mul3A_2, %add3A_80 : i32
    %dma_wait3A_82 = arith.constant 0 : i32
    %dma_wait3A_83 = tpu.memref_slice %arg4[%add3A_81, %dma_wait3A_82] : memref<32768x1024xf32, #tpu.memory_space<hbm>> -> memref<16x1024xf32, #tpu.memory_space<hbm>>
    %dma_wait3A_84 = arith.constant 0 : i32
    %dma_wait3A_85 = tpu.memref_slice %arg4[%add3A_81, %dma_wait3A_84] : memref<32768x1024xf32, #tpu.memory_space<hbm>> -> memref<16x1024xf32, #tpu.memory_space<hbm>>
    tpu.wait_dma2 semaphore(%arg18 : memref<!tpu.dma_semaphore, #tpu.memory_space<semaphore_mem>>) src(%arg6 : memref<16x1024xf32, #tpu.memory_space<vmem>>) dst(%dma_wait3A_85 : memref<16x1024xf32, #tpu.memory_space<hbm>>)
    %dma_start3A_86 = arith.constant 960 : i32
    %dma_start3A_87 = tpu.memref_slice %arg5[%dma_start3A_86] : memref<1024xi32, #tpu.memory_space<vmem>> -> memref<16xi32, #tpu.memory_space<vmem>>
    %dma_start3A_88 = arith.constant 0 : i32
    %dma_start3A_89 = arith.constant 0 : i32
    %dma_start3A_90 = tpu.memref_slice %arg3[%dma_start3A_88, %dma_start3A_89] : memref<8192x1024xf32, #tpu.memory_space<hbm>> -> memref<8192x1024xf32, #tpu.memory_space<hbm>>
    tpu.enqueue_indirect_dma source(%dma_start3A_90 : memref<8192x1024xf32, #tpu.memory_space<hbm>>) target(%arg6 : memref<16x1024xf32, #tpu.memory_space<vmem>>) offsets(%dma_start3A_87 : memref<16xi32, #tpu.memory_space<vmem>>) semaphore(%arg12 : memref<!tpu.dma_semaphore, #tpu.memory_space<semaphore_mem>>)
    %dma_wait3A_91 = arith.constant 928 : i32
    %dma_wait3A_92 = tpu.memref_slice %arg5[%dma_wait3A_91] : memref<1024xi32, #tpu.memory_space<vmem>> -> memref<16xi32, #tpu.memory_space<vmem>>
    %dma_wait3A_93 = arith.constant 0 : i32
    %dma_wait3A_94 = arith.constant 0 : i32
    %dma_wait3A_95 = tpu.memref_slice %arg3[%dma_wait3A_93, %dma_wait3A_94] : memref<8192x1024xf32, #tpu.memory_space<hbm>> -> memref<8192x1024xf32, #tpu.memory_space<hbm>>
    tpu.wait_indirect_dma semaphore(%arg16 : memref<!tpu.dma_semaphore, #tpu.memory_space<semaphore_mem>>) src(%dma_wait3A_95 : memref<8192x1024xf32, #tpu.memory_space<hbm>>) dst(%arg10 : memref<16x1024xf32, #tpu.memory_space<vmem>>)
    %add3A_96 = arith.constant 928 : i32
    %add3A_97 = arith.addi %mul3A_2, %add3A_96 : i32
    %dma_start3A_98 = arith.constant 0 : i32
    %dma_start3A_99 = tpu.memref_slice %arg4[%add3A_97, %dma_start3A_98] : memref<32768x1024xf32, #tpu.memory_space<hbm>> -> memref<16x1024xf32, #tpu.memory_space<hbm>>
    %dma_start3A_100 = arith.constant 0 : i32
    %dma_start3A_101 = tpu.memref_slice %arg4[%add3A_97, %dma_start3A_100] : memref<32768x1024xf32, #tpu.memory_space<hbm>> -> memref<16x1024xf32, #tpu.memory_space<hbm>>
    tpu.enqueue_dma source(%arg10 : memref<16x1024xf32, #tpu.memory_space<vmem>>) target(%dma_start3A_101 : memref<16x1024xf32, #tpu.memory_space<hbm>>) target_semaphore(%arg22 : memref<!tpu.dma_semaphore, #tpu.memory_space<semaphore_mem>>)
    %add3A_102 = arith.constant 880 : i32
    %add3A_103 = arith.addi %mul3A_2, %add3A_102 : i32
    %dma_wait3A_104 = arith.constant 0 : i32
    %dma_wait3A_105 = tpu.memref_slice %arg4[%add3A_103, %dma_wait3A_104] : memref<32768x1024xf32, #tpu.memory_space<hbm>> -> memref<16x1024xf32, #tpu.memory_space<hbm>>
    %dma_wait3A_106 = arith.constant 0 : i32
    %dma_wait3A_107 = tpu.memref_slice %arg4[%add3A_103, %dma_wait3A_106] : memref<32768x1024xf32, #tpu.memory_space<hbm>> -> memref<16x1024xf32, #tpu.memory_space<hbm>>
    tpu.wait_dma2 semaphore(%arg19 : memref<!tpu.dma_semaphore, #tpu.memory_space<semaphore_mem>>) src(%arg7 : memref<16x1024xf32, #tpu.memory_space<vmem>>) dst(%dma_wait3A_107 : memref<16x1024xf32, #tpu.memory_space<hbm>>)
    %dma_start3A_108 = arith.constant 976 : i32
    %dma_start3A_109 = tpu.memref_slice %arg5[%dma_start3A_108] : memref<1024xi32, #tpu.memory_space<vmem>> -> memref<16xi32, #tpu.memory_space<vmem>>
    %dma_start3A_110 = arith.constant 0 : i32
    %dma_start3A_111 = arith.constant 0 : i32
    %dma_start3A_112 = tpu.memref_slice %arg3[%dma_start3A_110, %dma_start3A_111] : memref<8192x1024xf32, #tpu.memory_space<hbm>> -> memref<8192x1024xf32, #tpu.memory_space<hbm>>
    tpu.enqueue_indirect_dma source(%dma_start3A_112 : memref<8192x1024xf32, #tpu.memory_space<hbm>>) target(%arg7 : memref<16x1024xf32, #tpu.memory_space<vmem>>) offsets(%dma_start3A_109 : memref<16xi32, #tpu.memory_space<vmem>>) semaphore(%arg13 : memref<!tpu.dma_semaphore, #tpu.memory_space<semaphore_mem>>)
    %dma_wait3A_113 = arith.constant 944 : i32
    %dma_wait3A_114 = tpu.memref_slice %arg5[%dma_wait3A_113] : memref<1024xi32, #tpu.memory_space<vmem>> -> memref<16xi32, #tpu.memory_space<vmem>>
    %dma_wait3A_115 = arith.constant 0 : i32
    %dma_wait3A_116 = arith.constant 0 : i32
    %dma_wait3A_117 = tpu.memref_slice %arg3[%dma_wait3A_115, %dma_wait3A_116] : memref<8192x1024xf32, #tpu.memory_space<hbm>> -> memref<8192x1024xf32, #tpu.memory_space<hbm>>
    tpu.wait_indirect_dma semaphore(%arg17 : memref<!tpu.dma_semaphore, #tpu.memory_space<semaphore_mem>>) src(%dma_wait3A_117 : memref<8192x1024xf32, #tpu.memory_space<hbm>>) dst(%arg11 : memref<16x1024xf32, #tpu.memory_space<vmem>>)
    %add3A_118 = arith.constant 944 : i32
    %add3A_119 = arith.addi %mul3A_2, %add3A_118 : i32
    %dma_start3A_120 = arith.constant 0 : i32
    %dma_start3A_121 = tpu.memref_slice %arg4[%add3A_119, %dma_start3A_120] : memref<32768x1024xf32, #tpu.memory_space<hbm>> -> memref<16x1024xf32, #tpu.memory_space<hbm>>
    %dma_start3A_122 = arith.constant 0 : i32
    %dma_start3A_123 = tpu.memref_slice %arg4[%add3A_119, %dma_start3A_122] : memref<32768x1024xf32, #tpu.memory_space<hbm>> -> memref<16x1024xf32, #tpu.memory_space<hbm>>
    tpu.enqueue_dma source(%arg11 : memref<16x1024xf32, #tpu.memory_space<vmem>>) target(%dma_start3A_123 : memref<16x1024xf32, #tpu.memory_space<hbm>>) target_semaphore(%arg23 : memref<!tpu.dma_semaphore, #tpu.memory_space<semaphore_mem>>)
    %add3A_124 = arith.constant 896 : i32
    %add3A_125 = arith.addi %mul3A_2, %add3A_124 : i32
    %dma_wait3A_126 = arith.constant 0 : i32
    %dma_wait3A_127 = tpu.memref_slice %arg4[%add3A_125, %dma_wait3A_126] : memref<32768x1024xf32, #tpu.memory_space<hbm>> -> memref<16x1024xf32, #tpu.memory_space<hbm>>
    %dma_wait3A_128 = arith.constant 0 : i32
    %dma_wait3A_129 = tpu.memref_slice %arg4[%add3A_125, %dma_wait3A_128] : memref<32768x1024xf32, #tpu.memory_space<hbm>> -> memref<16x1024xf32, #tpu.memory_space<hbm>>
    tpu.wait_dma2 semaphore(%arg20 : memref<!tpu.dma_semaphore, #tpu.memory_space<semaphore_mem>>) src(%arg8 : memref<16x1024xf32, #tpu.memory_space<vmem>>) dst(%dma_wait3A_129 : memref<16x1024xf32, #tpu.memory_space<hbm>>)
    %dma_start3A_130 = arith.constant 992 : i32
    %dma_start3A_131 = tpu.memref_slice %arg5[%dma_start3A_130] : memref<1024xi32, #tpu.memory_space<vmem>> -> memref<16xi32, #tpu.memory_space<vmem>>
    %dma_start3A_132 = arith.constant 0 : i32
    %dma_start3A_133 = arith.constant 0 : i32
    %dma_start3A_134 = tpu.memref_slice %arg3[%dma_start3A_132, %dma_start3A_133] : memref<8192x1024xf32, #tpu.memory_space<hbm>> -> memref<8192x1024xf32, #tpu.memory_space<hbm>>
    tpu.enqueue_indirect_dma source(%dma_start3A_134 : memref<8192x1024xf32, #tpu.memory_space<hbm>>) target(%arg8 : memref<16x1024xf32, #tpu.memory_space<vmem>>) offsets(%dma_start3A_131 : memref<16xi32, #tpu.memory_space<vmem>>) semaphore(%arg14 : memref<!tpu.dma_semaphore, #tpu.memory_space<semaphore_mem>>)
    %dma_wait3A_135 = arith.constant 960 : i32
    %dma_wait3A_136 = tpu.memref_slice %arg5[%dma_wait3A_135] : memref<1024xi32, #tpu.memory_space<vmem>> -> memref<16xi32, #tpu.memory_space<vmem>>
    %dma_wait3A_137 = arith.constant 0 : i32
    %dma_wait3A_138 = arith.constant 0 : i32
    %dma_wait3A_139 = tpu.memref_slice %arg3[%dma_wait3A_137, %dma_wait3A_138] : memref<8192x1024xf32, #tpu.memory_space<hbm>> -> memref<8192x1024xf32, #tpu.memory_space<hbm>>
    tpu.wait_indirect_dma semaphore(%arg12 : memref<!tpu.dma_semaphore, #tpu.memory_space<semaphore_mem>>) src(%dma_wait3A_139 : memref<8192x1024xf32, #tpu.memory_space<hbm>>) dst(%arg6 : memref<16x1024xf32, #tpu.memory_space<vmem>>)
    %add3A_140 = arith.constant 960 : i32
    %add3A_141 = arith.addi %mul3A_2, %add3A_140 : i32
    %dma_start3A_142 = arith.constant 0 : i32
    %dma_start3A_143 = tpu.memref_slice %arg4[%add3A_141, %dma_start3A_142] : memref<32768x1024xf32, #tpu.memory_space<hbm>> -> memref<16x1024xf32, #tpu.memory_space<hbm>>
    %dma_start3A_144 = arith.constant 0 : i32
    %dma_start3A_145 = tpu.memref_slice %arg4[%add3A_141, %dma_start3A_144] : memref<32768x1024xf32, #tpu.memory_space<hbm>> -> memref<16x1024xf32, #tpu.memory_space<hbm>>
    tpu.enqueue_dma source(%arg6 : memref<16x1024xf32, #tpu.memory_space<vmem>>) target(%dma_start3A_145 : memref<16x1024xf32, #tpu.memory_space<hbm>>) target_semaphore(%arg18 : memref<!tpu.dma_semaphore, #tpu.memory_space<semaphore_mem>>)
    %add3A_146 = arith.constant 912 : i32
    %add3A_147 = arith.addi %mul3A_2, %add3A_146 : i32
    %dma_wait3A_148 = arith.constant 0 : i32
    %dma_wait3A_149 = tpu.memref_slice %arg4[%add3A_147, %dma_wait3A_148] : memref<32768x1024xf32, #tpu.memory_space<hbm>> -> memref<16x1024xf32, #tpu.memory_space<hbm>>
    %dma_wait3A_150 = arith.constant 0 : i32
    %dma_wait3A_151 = tpu.memref_slice %arg4[%add3A_147, %dma_wait3A_150] : memref<32768x1024xf32, #tpu.memory_space<hbm>> -> memref<16x1024xf32, #tpu.memory_space<hbm>>
    tpu.wait_dma2 semaphore(%arg21 : memref<!tpu.dma_semaphore, #tpu.memory_space<semaphore_mem>>) src(%arg9 : memref<16x1024xf32, #tpu.memory_space<vmem>>) dst(%dma_wait3A_151 : memref<16x1024xf32, #tpu.memory_space<hbm>>)
    %dma_start3A_152 = arith.constant 1008 : i32
    %dma_start3A_153 = tpu.memref_slice %arg5[%dma_start3A_152] : memref<1024xi32, #tpu.memory_space<vmem>> -> memref<16xi32, #tpu.memory_space<vmem>>
    %dma_start3A_154 = arith.constant 0 : i32
    %dma_start3A_155 = arith.constant 0 : i32
    %dma_start3A_156 = tpu.memref_slice %arg3[%dma_start3A_154, %dma_start3A_155] : memref<8192x1024xf32, #tpu.memory_space<hbm>> -> memref<8192x1024xf32, #tpu.memory_space<hbm>>
    tpu.enqueue_indirect_dma source(%dma_start3A_156 : memref<8192x1024xf32, #tpu.memory_space<hbm>>) target(%arg9 : memref<16x1024xf32, #tpu.memory_space<vmem>>) offsets(%dma_start3A_153 : memref<16xi32, #tpu.memory_space<vmem>>) semaphore(%arg15 : memref<!tpu.dma_semaphore, #tpu.memory_space<semaphore_mem>>)
    %dma_wait3A_157 = arith.constant 976 : i32
    %dma_wait3A_158 = tpu.memref_slice %arg5[%dma_wait3A_157] : memref<1024xi32, #tpu.memory_space<vmem>> -> memref<16xi32, #tpu.memory_space<vmem>>
    %dma_wait3A_159 = arith.constant 0 : i32
    %dma_wait3A_160 = arith.constant 0 : i32
    %dma_wait3A_161 = tpu.memref_slice %arg3[%dma_wait3A_159, %dma_wait3A_160] : memref<8192x1024xf32, #tpu.memory_space<hbm>> -> memref<8192x1024xf32, #tpu.memory_space<hbm>>
    tpu.wait_indirect_dma semaphore(%arg13 : memref<!tpu.dma_semaphore, #tpu.memory_space<semaphore_mem>>) src(%dma_wait3A_161 : memref<8192x1024xf32, #tpu.memory_space<hbm>>) dst(%arg7 : memref<16x1024xf32, #tpu.memory_space<vmem>>)
    %add3A_162 = arith.constant 976 : i32
    %add3A_163 = arith.addi %mul3A_2, %add3A_162 : i32
    %dma_start3A_164 = arith.constant 0 : i32
    %dma_start3A_165 = tpu.memref_slice %arg4[%add3A_163, %dma_start3A_164] : memref<32768x1024xf32, #tpu.memory_space<hbm>> -> memref<16x1024xf32, #tpu.memory_space<hbm>>
    %dma_start3A_166 = arith.constant 0 : i32
    %dma_start3A_167 = tpu.memref_slice %arg4[%add3A_163, %dma_start3A_166] : memref<32768x1024xf32, #tpu.memory_space<hbm>> -> memref<16x1024xf32, #tpu.memory_space<hbm>>
    tpu.enqueue_dma source(%arg7 : memref<16x1024xf32, #tpu.memory_space<vmem>>) target(%dma_start3A_167 : memref<16x1024xf32, #tpu.memory_space<hbm>>) target_semaphore(%arg19 : memref<!tpu.dma_semaphore, #tpu.memory_space<semaphore_mem>>)
    %add3A_168 = arith.constant 928 : i32
    %add3A_169 = arith.addi %mul3A_2, %add3A_168 : i32
    %dma_wait3A_170 = arith.constant 0 : i32
    %dma_wait3A_171 = tpu.memref_slice %arg4[%add3A_169, %dma_wait3A_170] : memref<32768x1024xf32, #tpu.memory_space<hbm>> -> memref<16x1024xf32, #tpu.memory_space<hbm>>
    %dma_wait3A_172 = arith.constant 0 : i32
    %dma_wait3A_173 = tpu.memref_slice %arg4[%add3A_169, %dma_wait3A_172] : memref<32768x1024xf32, #tpu.memory_space<hbm>> -> memref<16x1024xf32, #tpu.memory_space<hbm>>
    tpu.wait_dma2 semaphore(%arg22 : memref<!tpu.dma_semaphore, #tpu.memory_space<semaphore_mem>>) src(%arg10 : memref<16x1024xf32, #tpu.memory_space<vmem>>) dst(%dma_wait3A_173 : memref<16x1024xf32, #tpu.memory_space<hbm>>)
    %dma_wait3A_174 = arith.constant 992 : i32
    %dma_wait3A_175 = tpu.memref_slice %arg5[%dma_wait3A_174] : memref<1024xi32, #tpu.memory_space<vmem>> -> memref<16xi32, #tpu.memory_space<vmem>>
    %dma_wait3A_176 = arith.constant 0 : i32
    %dma_wait3A_177 = arith.constant 0 : i32
    %dma_wait3A_178 = tpu.memref_slice %arg3[%dma_wait3A_176, %dma_wait3A_177] : memref<8192x1024xf32, #tpu.memory_space<hbm>> -> memref<8192x1024xf32, #tpu.memory_space<hbm>>
    tpu.wait_indirect_dma semaphore(%arg14 : memref<!tpu.dma_semaphore, #tpu.memory_space<semaphore_mem>>) src(%dma_wait3A_178 : memref<8192x1024xf32, #tpu.memory_space<hbm>>) dst(%arg8 : memref<16x1024xf32, #tpu.memory_space<vmem>>)
    %add3A_179 = arith.constant 992 : i32
    %add3A_180 = arith.addi %mul3A_2, %add3A_179 : i32
    %dma_start3A_181 = arith.constant 0 : i32
    %dma_start3A_182 = tpu.memref_slice %arg4[%add3A_180, %dma_start3A_181] : memref<32768x1024xf32, #tpu.memory_space<hbm>> -> memref<16x1024xf32, #tpu.memory_space<hbm>>
    %dma_start3A_183 = arith.constant 0 : i32
    %dma_start3A_184 = tpu.memref_slice %arg4[%add3A_180, %dma_start3A_183] : memref<32768x1024xf32, #tpu.memory_space<hbm>> -> memref<16x1024xf32, #tpu.memory_space<hbm>>
    tpu.enqueue_dma source(%arg8 : memref<16x1024xf32, #tpu.memory_space<vmem>>) target(%dma_start3A_184 : memref<16x1024xf32, #tpu.memory_space<hbm>>) target_semaphore(%arg20 : memref<!tpu.dma_semaphore, #tpu.memory_space<semaphore_mem>>)
    %add3A_185 = arith.constant 944 : i32
    %add3A_186 = arith.addi %mul3A_2, %add3A_185 : i32
    %dma_wait3A_187 = arith.constant 0 : i32
    %dma_wait3A_188 = tpu.memref_slice %arg4[%add3A_186, %dma_wait3A_187] : memref<32768x1024xf32, #tpu.memory_space<hbm>> -> memref<16x1024xf32, #tpu.memory_space<hbm>>
    %dma_wait3A_189 = arith.constant 0 : i32
    %dma_wait3A_190 = tpu.memref_slice %arg4[%add3A_186, %dma_wait3A_189] : memref<32768x1024xf32, #tpu.memory_space<hbm>> -> memref<16x1024xf32, #tpu.memory_space<hbm>>
    tpu.wait_dma2 semaphore(%arg23 : memref<!tpu.dma_semaphore, #tpu.memory_space<semaphore_mem>>) src(%arg11 : memref<16x1024xf32, #tpu.memory_space<vmem>>) dst(%dma_wait3A_190 : memref<16x1024xf32, #tpu.memory_space<hbm>>)
    %dma_wait3A_191 = arith.constant 1008 : i32
    %dma_wait3A_192 = tpu.memref_slice %arg5[%dma_wait3A_191] : memref<1024xi32, #tpu.memory_space<vmem>> -> memref<16xi32, #tpu.memory_space<vmem>>
    %dma_wait3A_193 = arith.constant 0 : i32
    %dma_wait3A_194 = arith.constant 0 : i32
    %dma_wait3A_195 = tpu.memref_slice %arg3[%dma_wait3A_193, %dma_wait3A_194] : memref<8192x1024xf32, #tpu.memory_space<hbm>> -> memref<8192x1024xf32, #tpu.memory_space<hbm>>
    tpu.wait_indirect_dma semaphore(%arg15 : memref<!tpu.dma_semaphore, #tpu.memory_space<semaphore_mem>>) src(%dma_wait3A_195 : memref<8192x1024xf32, #tpu.memory_space<hbm>>) dst(%arg9 : memref<16x1024xf32, #tpu.memory_space<vmem>>)
    %add3A_196 = arith.constant 1008 : i32
    %add3A_197 = arith.addi %mul3A_2, %add3A_196 : i32
    %dma_start3A_198 = arith.constant 0 : i32
    %dma_start3A_199 = tpu.memref_slice %arg4[%add3A_197, %dma_start3A_198] : memref<32768x1024xf32, #tpu.memory_space<hbm>> -> memref<16x1024xf32, #tpu.memory_space<hbm>>
    %dma_start3A_200 = arith.constant 0 : i32
    %dma_start3A_201 = tpu.memref_slice %arg4[%add3A_197, %dma_start3A_200] : memref<32768x1024xf32, #tpu.memory_space<hbm>> -> memref<16x1024xf32, #tpu.memory_space<hbm>>
    tpu.enqueue_dma source(%arg9 : memref<16x1024xf32, #tpu.memory_space<vmem>>) target(%dma_start3A_201 : memref<16x1024xf32, #tpu.memory_space<hbm>>) target_semaphore(%arg21 : memref<!tpu.dma_semaphore, #tpu.memory_space<semaphore_mem>>)
    %add3A_202 = arith.constant 960 : i32
    %add3A_203 = arith.addi %mul3A_2, %add3A_202 : i32
    %dma_wait3A_204 = arith.constant 0 : i32
    %dma_wait3A_205 = tpu.memref_slice %arg4[%add3A_203, %dma_wait3A_204] : memref<32768x1024xf32, #tpu.memory_space<hbm>> -> memref<16x1024xf32, #tpu.memory_space<hbm>>
    %dma_wait3A_206 = arith.constant 0 : i32
    %dma_wait3A_207 = tpu.memref_slice %arg4[%add3A_203, %dma_wait3A_206] : memref<32768x1024xf32, #tpu.memory_space<hbm>> -> memref<16x1024xf32, #tpu.memory_space<hbm>>
    tpu.wait_dma2 semaphore(%arg18 : memref<!tpu.dma_semaphore, #tpu.memory_space<semaphore_mem>>) src(%arg6 : memref<16x1024xf32, #tpu.memory_space<vmem>>) dst(%dma_wait3A_207 : memref<16x1024xf32, #tpu.memory_space<hbm>>)
    %add3A_208 = arith.constant 976 : i32
    %add3A_209 = arith.addi %mul3A_2, %add3A_208 : i32
    %dma_wait3A_210 = arith.constant 0 : i32
    %dma_wait3A_211 = tpu.memref_slice %arg4[%add3A_209, %dma_wait3A_210] : memref<32768x1024xf32, #tpu.memory_space<hbm>> -> memref<16x1024xf32, #tpu.memory_space<hbm>>
    %dma_wait3A_212 = arith.constant 0 : i32
    %dma_wait3A_213 = tpu.memref_slice %arg4[%add3A_209, %dma_wait3A_212] : memref<32768x1024xf32, #tpu.memory_space<hbm>> -> memref<16x1024xf32, #tpu.memory_space<hbm>>
    tpu.wait_dma2 semaphore(%arg19 : memref<!tpu.dma_semaphore, #tpu.memory_space<semaphore_mem>>) src(%arg7 : memref<16x1024xf32, #tpu.memory_space<vmem>>) dst(%dma_wait3A_213 : memref<16x1024xf32, #tpu.memory_space<hbm>>)
    %add3A_214 = arith.constant 992 : i32
    %add3A_215 = arith.addi %mul3A_2, %add3A_214 : i32
    %dma_wait3A_216 = arith.constant 0 : i32
    %dma_wait3A_217 = tpu.memref_slice %arg4[%add3A_215, %dma_wait3A_216] : memref<32768x1024xf32, #tpu.memory_space<hbm>> -> memref<16x1024xf32, #tpu.memory_space<hbm>>
    %dma_wait3A_218 = arith.constant 0 : i32
    %dma_wait3A_219 = tpu.memref_slice %arg4[%add3A_215, %dma_wait3A_218] : memref<32768x1024xf32, #tpu.memory_space<hbm>> -> memref<16x1024xf32, #tpu.memory_space<hbm>>
    tpu.wait_dma2 semaphore(%arg20 : memref<!tpu.dma_semaphore, #tpu.memory_space<semaphore_mem>>) src(%arg8 : memref<16x1024xf32, #tpu.memory_space<vmem>>) dst(%dma_wait3A_219 : memref<16x1024xf32, #tpu.memory_space<hbm>>)
    %add3A_220 = arith.constant 1008 : i32
    %add3A_221 = arith.addi %mul3A_2, %add3A_220 : i32
    %dma_wait3A_222 = arith.constant 0 : i32
    %dma_wait3A_223 = tpu.memref_slice %arg4[%add3A_221, %dma_wait3A_222] : memref<32768x1024xf32, #tpu.memory_space<hbm>> -> memref<16x1024xf32, #tpu.memory_space<hbm>>
    %dma_wait3A_224 = arith.constant 0 : i32
    %dma_wait3A_225 = tpu.memref_slice %arg4[%add3A_221, %dma_wait3A_224] : memref<32768x1024xf32, #tpu.memory_space<hbm>> -> memref<16x1024xf32, #tpu.memory_space<hbm>>
    tpu.wait_dma2 semaphore(%arg21 : memref<!tpu.dma_semaphore, #tpu.memory_space<semaphore_mem>>) src(%arg9 : memref<16x1024xf32, #tpu.memory_space<vmem>>) dst(%dma_wait3A_225 : memref<16x1024xf32, #tpu.memory_space<hbm>>)
    return
  }
}

</mosaic_0001>

<sc_bundles>
// kernel: _gather.3.cloned.1.call-start
scs
__scs_entry_jumppad:
0x0: {  	(pc) =	sbr.rel $0x88, $3  }
0x1: {  	(tag) =	ssettag $0x0;
	lr =	simm.s32 $0x1  }
0x2: {  	[smem:$0x3F9F] =	sst lr;
	_ =	strace $0xD0000000  }
0x3: {  	_ = 	snop  }
0x4: {  	_ = 	snop  }
0x5: {  	_ = 	snop  }
0x6: {  	_ = 	snop  }
0x7: {  	_ = 	snop  }
__scs_overlays_trampoline_lowered:
0x8: {  	[smem:$0x3FAE] =	sst s0  }
0x9: {  	[smem:$0x3FAF] =	sst s1  }
0xa: {  	[smem:$0x3FB0] =	sst s2  }
0xb: {  	[smem:$0x3FB1] =	sst s3  }
0xc: {  	[smem:$0x3FB2] =	sst s4  }
0xd: {  	[smem:$0x3FB3] =	sst s5  }
0xe: {  	[smem:$0x3FB4] =	sst s6  }
0xf: {  	[smem:$0x3FB5] =	sst s7  }
0x10: {  	[smem:$0x3FB6] =	sst s8  }
0x11: {  	[smem:$0x3FB7] =	sst s9;
	s0 =	simm.s32 @!p0 $0x0  }
0x12: {  	s1 =	sld [smem:$0x3F9D];
	s0 =	simm.s32 @p0 $0x1  }
0x13: {  	[smem:$0x3FB8] =	sst s0;
	s0 =	simm.s32 @!p1 $0x0  }
0x14: {  	s2 =	sld [smem:$0x3F9C];
	s0 =	simm.s32 @p1 $0x1  }
0x15: {  	[smem:$0x3FB9] =	sst s0;
	s0 =	simm.s32 @!p2 $0x0  }
0x16: {  	s3 =	sld [smem:$0x3FDB];
	s0 =	simm.s32 @p2 $0x1  }
0x17: {  	s4 =	simm.s32 $0x1BF5;
	[smem:$0x3FBB] =	sst s0  }
0x18: {  	s0 =	sld [smem:$0x3F9E];
	_ =	swait.ge [sflag:s4], $0x0  }
0x19: {  	s7 =	sld [smem:$0x3F9F]  }
0x1a: {  	s8 =	sadd.s32 $0xFFFFE003, lr  }
0x1b: {  	s9 =	sadd.s32 $0xFFFFFEF7, lr;
	s5 =	simm.s32 $0xFFFFFFFF;
	p2 =	slt.u32 s8, $0xFFFFF086  }
0x1c: {  	p1 =	slt.u32 s9, $0xF7A;
	s5 =	simm.s32 @!p2 $0x0  }
0x1d: {  	s5 =	simm.s32 @p1 $0x1;
	p0 =	seq.s32 s7, s2  }
0x1e: {  	s7 =	smul.u32 @!p0 $0xF7A, s2;
	p2 =	seq.s32 @!p0 s5, $0x0  }
0x1f: {  	s9 =	smul.u32 $0xF7A, s1;
	s8 =	simm.s32 @!p0 $0x1BF5;
	p2 =	por !p2, p0  }
0x20: {  	[sflag:s8] =	ssyncset.s32 @!p0 $0xFFFFF086;
	s6 =	sadd.s32 @!p0 s3, s7;
	s7 =	simm.s32 @!p0 $0x108  }
0x21: {  	s3 =	sadd.s32 s3, s9;
	s6 =	sadd.s32 @!p0 $0x88, s6;
	s7 =	simm.s32 @p2 $0x1082  }
0x22: {  	[simem:s7], [sflag:s8] =	dma.local @!p0 [hbm:s6], $0xF7A  }
0x23: {  	s9 =	sor.u32 $0xD0000000, s2;
	s6 =	simm.s32 $0x108;
	_ =	swait.ge @!p0 [sflag:s8], $0x0  }
0x24: {  	s3 =	sadd.s32 $0x88, s3;
	s6 =	simm.s32 @!p1 $0x1082;
	[sflag:s4] =	ssyncset.s32 $0xFFFFF086  }
0x25: {  	[simem:s6], [sflag:s4] =	dma.local [hbm:s3], $0xF7A  }
0x26: {  	[smem:$0x3F9F] =	sst s1;
	(tag) =	ssettag s2;
	_ =	strace s9  }
0x27: {  	s1 =	sld [smem:$0x3FAF]  }
0x28: {  	s2 =	sld [smem:$0x3FB0]  }
0x29: {  	s4 =	sld [smem:$0x3FB2]  }
0x2a: {  	p0 =	seq.s32 s5, $0x0;
	s5 =	sld [smem:$0x3FB3]  }
0x2b: {  	s6 =	sld [smem:$0x3FB4]  }
0x2c: {  	s7 =	sld [smem:$0x3FB5]  }
0x2d: {  	s3 =	simm.s32 $0x108;
	s8 =	sld [smem:$0x3FB6]  }
0x2e: {  	s3 =	simm.s32 @!p0 $0x1082;
	s9 =	sld [smem:$0x3FB7]  }
0x2f: {  	lr =	sadd.s32 s0, s3;
	s0 =	sld [smem:$0x3FAE]  }
0x30: {  	s3 =	sld [smem:$0x3FB1]  }
0x31: {  	[smem:$0x3FBA] =	sst s10  }
0x32: {  	s10 =	sld [smem:$0x3FB8];
	_ =	sdelay $0x3  }
0x33: {  	p0 =	seq.s32 s10, $0x1;
	s10 =	sld [smem:$0x3FBA];
	_ =	sdelay $0x3  }
0x34: {  	[smem:$0x3FBA] =	sst s10  }
0x35: {  	s10 =	sld [smem:$0x3FB9];
	_ =	sdelay $0x3  }
0x36: {  	p1 =	seq.s32 s10, $0x1;
	s10 =	sld [smem:$0x3FBA];
	_ =	sdelay $0x3  }
0x37: {  	[smem:$0x3FBA] =	sst s10  }
0x38: {  	s10 =	sld [smem:$0x3FBB]  }
0x39: {  	_ = 	snop;
	(pc) =	sbr.ind lr, $3  }
0x3a: {  	_ = 	snop  }
0x3b: {  	_ = 	snop  }
0x3c: {  	p2 =	seq.s32 s10, $0x1;
	s10 =	sld [smem:$0x3FBA]  }
0x3d: {  	_ =	shalt  }
0x3e: {  	_ =	shalt  }
0x3f: {  	_ =	shalt  }
0x40: {  	_ =	shalt  }
0x41: {  	_ =	shalt  }
0x42: {  	_ =	shalt  }
0x43: {  	_ =	shalt  }
0x44: {  	_ =	shalt  }
0x45: {  	_ =	shalt  }
0x46: {  	_ =	shalt  }
0x47: {  	_ =	shalt  }
0x48: {  	_ =	shalt  }
0x49: {  	_ =	shalt  }
0x4a: {  	_ =	shalt  }
0x4b: {  	_ =	shalt  }
0x4c: {  	_ =	shalt  }
0x4d: {  	_ =	shalt  }
0x4e: {  	_ =	shalt  }
0x4f: {  	_ =	shalt  }
0x50: {  	_ =	shalt  }
0x51: {  	_ =	shalt  }
0x52: {  	_ =	shalt  }
0x53: {  	_ =	shalt  }
0x54: {  	_ =	shalt  }
0x55: {  	_ =	shalt  }
0x56: {  	_ =	shalt  }
0x57: {  	_ =	shalt  }
0x58: {  	_ =	shalt  }
0x59: {  	_ =	shalt  }
0x5a: {  	_ =	shalt  }
0x5b: {  	_ =	shalt  }
0x5c: {  	_ =	shalt  }
0x5d: {  	_ =	shalt  }
0x5e: {  	_ =	shalt  }
0x5f: {  	_ =	shalt  }
0x60: {  	_ =	shalt  }
0x61: {  	_ =	shalt  }
0x62: {  	_ =	shalt  }
0x63: {  	_ =	shalt  }
0x64: {  	_ =	shalt  }
0x65: {  	_ =	shalt  }
0x66: {  	_ =	shalt  }
0x67: {  	_ =	shalt  }
0x68: {  	_ =	shalt  }
0x69: {  	_ =	shalt  }
0x6a: {  	_ =	shalt  }
0x6b: {  	_ =	shalt  }
0x6c: {  	_ =	shalt  }
0x6d: {  	_ =	shalt  }
0x6e: {  	_ =	shalt  }
0x6f: {  	_ =	shalt  }
0x70: {  	_ =	shalt  }
0x71: {  	_ =	shalt  }
0x72: {  	_ =	shalt  }
0x73: {  	_ =	shalt  }
0x74: {  	_ =	shalt  }
0x75: {  	_ =	shalt  }
0x76: {  	_ =	shalt  }
0x77: {  	_ =	shalt  }
0x78: {  	_ =	shalt  }
0x79: {  	_ =	shalt  }
0x7a: {  	_ =	shalt  }
0x7b: {  	_ =	shalt  }
0x7c: {  	_ =	shalt  }
0x7d: {  	_ =	shalt  }
0x7e: {  	_ =	shalt  }
0x7f: {  	_ =	shalt  }
0x80: {  	_ =	shalt  }
0x81: {  	_ =	shalt  }
0x82: {  	_ =	shalt  }
0x83: {  	_ =	shalt  }
0x84: {  	_ =	shalt  }
0x85: {  	_ =	shalt  }
0x86: {  	_ =	shalt  }
0x87: {  	_ =	shalt  }
.Lfunc_end0:
.L_simem_size_0:
called_computation_lowered:
.L_overlay_start_0:
0x88: {  	s2 =	sld [smem:$0x3FD9]  }
0x89: {  	s3 =	sld [smem:$0x3FFE];
	_ =	sdelay $0x1  }
0x8a: {  	s1 =	srdreg.scid  }
0x8b: {  	s0 =	sand.u32 $0x1, s1  }
0x8c: {  	s18 =	sshll.u32 s0, $0xA;
	s2 =	sadd.s32 s3, s2  }
0x8d: {  	s2 =	sadd.s32 s2, s18  }
0x8e: {  	[smem:$0x3FC6] =	sst s2  }
0x8f: {  	_ = 	snop  }
0x90: {  	s2 =	sld [smem:$0x3FC9]  }
0x91: {  	s19 =	sld [smem:$0x3FC8]  }
0x92: {  	s4 =	sld [smem:$0x3FD0];
	(tm) =	ssettm $0x1  }
0x93: {  	s5 =	sld [smem:$0x3FFB];
	_ =	sdelay $0x3  }
0x94: {  	_ =	strace s5  }
0x95: {  	s5 =	sld [smem:$0x3FFC];
	_ =	sdelay $0x3  }
0x96: {  	_ =	strace s5  }
0x97: {  	s5 =	sld [smem:$0x3FFD];
	_ =	sdelay $0x3  }
0x98: {  	_ =	strace s5  }
0x99: {  	_ =	strace $0x8FFFFFFF  }
0x9a: {  	s20 =	sld [smem:$0x3FDB];
	_ =	sdelay $0x1  }
0x9b: {  	s6 =	simm.s32 $_scs_section_size  }
0x9c: {  	s7 =	simm.s32 $_size__tile_overlayer_lowered;
	s8 =	simm.s32 $_tile_overlayer_lowered  }
0x9d: {  	s23 =	simm.s32 $0x1BFF;
	s22 =	sshll.u32 s8, $0x1;
	s5 =	sadd.s32 s6, s20  }
0x9e: {  	s9 =	simm.s32 $0x0;
	s21 =	sshll.u32 s7, $0x1;
	s7 =	sadd.s32 s22, s5  }
0x9f: {  	[timem:s9], [sflag:s23] =	dma.local [hbm:s7], s21  }
0xa0: {  	_ =	swait.ge [sflag:s23], s21  }
0xa1: {  	s6 =	ssub.s32 $0x0, s21;
	[sflag:s23] =	ssyncset.done $0x0  }
0xa2: {  	[sflag:s23] =	ssyncadd.s32 s6;
	_ =	sdelay $0x1  }
0xa3: {  	s24 =	simm.s32 $0x1B8B  }
0xa4: {  	_ =	swait.ge [sflag:s24], $0x1  }
0xa5: {  	[sflag:s24] =	ssyncset.done $0x0  }
0xa6: {  	s25 =	simm.s32 $0x1B8E;
	[sflag:s24] =	ssyncadd.s32 $0xFFFFFFFF  }
0xa7: {  	s26 =	simm.s32 $execute0_lowered;
	[smem:$0x3FD2] =	sst s25  }
0xa8: {  	s6 =	sshll.u32 s26, $0x1;
	_ =	strace $0x80000046;
	[dreg:$0x1] =	wrdreg $0xFFFFFFFF  }
0xa9: {  	s28 =	simm.s32 $_size_execute0_lowered;
	s5 =	sadd.s32 s5, s6;
	[dreg:$0x0] =	wrdreg $0x0  }
0xaa: {  	s6 =	sshll.u32 s28, $0x1;
	[dreg:$0x2] =	wrdreg s5  }
0xab: {  	[dreg:$0x3] =	wrdreg s6  }
0xac: {  	[dreg:$0x4] =	wrdreg $0xC0  }
0xad: {  	_ =	task [dreg:s9], $0x5FFFF  }
0xae: {  	[dreg:$0x1] =	wrdreg $0xFFFFFFFF  }
0xaf: {  	[dreg:$0x0] =	wrdreg $0x60  }
0xb0: {  	[dreg:$0x2] =	wrdreg s2  }
0xb1: {  	[dreg:$0x3] =	wrdreg s19  }
0xb2: {  	[dreg:$0x4] =	wrdreg s4  }
0xb3: {  	[dreg:$0x5] =	wrdreg $0x9  }
0xb4: {  	_ =	task.clear_ibuf [dreg:s9], $0x6FFFF;
	_ =	strace $0x90000046  }
0xb5: {  	s29 =	simm.s32 $0x9;
	_ =	strace $0x80000048  }
0xb6: {  	_ =	swait.ge [sflag:s29], $0x1  }
0xb7: {  	[sflag:s29] =	ssyncadd.s32 $0xFFFFFFFF  }
0xb8: {  	_ =	strace $0x90000048  }
0xb9: {  	_ =	sfence  }
0xba: {  	s30 =	sld [smem:$0x0];
	_ =	sdelay $0x2  }
0xbb: {  	s31 =	sshll.u32 s1, $0xD;
	s1 =	sshrl.u32 s1, $0x2  }
0xbc: {  	s3 =	sand.u32 $0x4000, s31;
	s1 =	sadd.s32 s1, s30  }
0xbd: {  	s0 =	sor.u32 s3, s0;
	s1 =	sshll.u32 s1, $0x11  }
0xbe: {  	s0 =	sor.u32 s1, s0  }
0xbf: {  	s0 =	sadd.s32 $0x8F2B, s0  }
0xc0: {  	[sflag:s0] =	ssyncadd.remote.s32 $0x1  }
0xc1: {  	_ =	sfence.sel $0xFFFF  }
0xc2: {  	[dreg:$0x0] =	wrdreg $0xFFFFFFFF;
	(pc) =	sbr.abs _section_cstart, $3  }
0xc3: {  	[dreg:$0x1] =	wrdreg $0xFFFFFFFF  }
0xc4: {  	_ =	task.clear_ibuf [dreg:s9], $0x2FFFF;
	_ =	strace $0x9FFFFFFF  }
0xc5: {  	(tm) =	ssettm $0x7FFFFFFF  }
tec
execute0_lowered:
.L_overlay_start_1:
0x0: {  	(tag) =	ssettag $0x1  }
0x1: {  	s0 =	rddreg [dreg:$0x0]  }
0x2: {  	s2 =	rddreg [dreg:$0x1]  }
0x3: {  	s1 =	rddreg [dreg:$0x2]  }
0x4: {  	s3 =	srdreg.scid;
	s9 =	stileid.u32;
	s30 =	simm.s32 $0x2  }
0x5: {  	s29 =	simm.s32 $0x10400;
	s28 =	simm.s32 $0x13C00;
	s31 =	simm.s32 $0x14400  }
0x6: {  	s12 =	simm.s32 $0x5;
	s13 =	simm.s32 $0x6;
	s4 =	sand.u32 $0x1, s3  }
0x7: {  	s3 =	simm.s32 $0x0;
	s5 =	sshll.u32 s9, $0xB;
	s6 =	sshll.u32 s4, $0xA  }
0x8: {  	s11 =	simm.s32 $0x0;
	[smem:$0x7FF] =	sst s3;
	s5 =	sor.u32 s6, s5  }
0x9: {  	s7 =	ssub.s32 $0x2, s4;
	_ =	strace $0x80000047;
	s8 =	sshrl.u32 s5, $0x3  }
0xa: {  	s14 =	sshrl.u32 s7, $0x1;
	s15 =	sshll.u32 s5, $0x7;
	s0 =	sadd.s32 s0, s8  }
0xb: {  	s7 =	ssub.s32 s7, s14;
	s10 =	sadd.s32 s1, s15;
	[dreg:$0x5] =	wrdreg s0  }
0xc: {  	s22 =	sshll.u32 s9, $0x12;
	s26 =	smax.u32 s7, $0x1;
	[dreg:$0x6] =	wrdreg s10  }
0xd: {  	s9 =	simm.s32 $0x12400;
	s0 =	sadd.s32 $0x800, s10;
	[dreg:$0x10] =	wrdreg s26  }
0xe: {  	s24 =	sshll.u32 s4, $0x11;
	s16 =	sadd.s32 $0x1000, s10;
	[dreg:$0x7] =	wrdreg s0  }
0xf: {  	s4 =	simm.s32 $0x11400;
	s17 =	sadd.s32 $0x1C800, s10;
	[dreg:$0x8] =	wrdreg s16  }
0x10: {  	s6 =	sadd.s32 $0x200, s2;
	s18 =	sadd.s32 $0x1D000, s10;
	[dreg:$0x9] =	wrdreg s17  }
0x11: {  	s5 =	sadd.s32 $0x100, s2;
	s19 =	sadd.s32 $0x1D800, s10;
	[dreg:$0xa] =	wrdreg s18  }
0x12: {  	s14 =	simm.s32 $0x3;
	s20 =	sadd.s32 $0x1E000, s10;
	[dreg:$0xb] =	wrdreg s19  }
0x13: {  	s8 =	sadd.s32 $0x300, s2;
	s21 =	sadd.s32 $0x1E800, s10;
	[dreg:$0xc] =	wrdreg s20  }
0x14: {  	s7 =	simm.s32 $0x1;
	s23 =	sadd.s32 $0x1F000, s10;
	[dreg:$0xd] =	wrdreg s21  }
0x15: {  	s15 =	simm.s32 $0x13400;
	s25 =	sadd.s32 $0x1F800, s10;
	[dreg:$0xe] =	wrdreg s23  }
0x16: {  	s10 =	simm.s32 $0x4;
	s0 =	sadd.s32 s22, s1;
	[dreg:$0xf] =	wrdreg s25  }
0x17: {  	s19 =	simm.s32 $0xC400;
	s16 =	simm.s32 $0x10C00;
	s17 =	simm.s32 $0x11C00  }
0x18: {  	v2 =	vlaneseq.u32;
	s18 =	simm.s32 $0x12C00;
	s21 =	simm.s32 $0x7;
	s22 =	simm.s32 $0x8  }
0x19: {  	vm0 =	vmmov $0xffff;
	v1 =	vshrl.u32 v2, $0x3;
	s23 =	simm.s32 $0x9;
	s25 =	simm.s32 $0xB;
	s0 =	sadd.s32 s24, s0  }
0x1a: {  	v0 =	vand.u32 $0x7, v2;
	v2 =	vor.u32 $0x8, v2;
	v1 =	vmul.u32 $0x8, v1;
	s24 =	simm.s32 $0xA;
	[dreg:$0x4] =	wrdreg s0;
	s0 =	simm.s32 $0xC  }
.LBB2_1:
0x1b: {  	[dreg:$0x11] =	wrdreg s11  }
0x1c: {  	s1 =	rddreg [dreg:$0x5];
	s26 =	simm.s32 $0xD  }
0x1d: {  	[tilespmem:s3], [sflag:$0xD] =	stream.linear.gather [hbm4b:s1+s3], $0x400, $0x38;
	[tilespmem:$0x18400] =	vst v63  }
0x1e: {  	_ =	swait.ge [sflag:s26], $0x400  }
0x1f: {  	[sflag:s26] =	ssyncset.done $0x0  }
0x20: {  	[sflag:s26] =	ssyncadd.s32 $0xFFFFFC00  }
0x21: {  	v3 =	vld [tilespmem:$0x0];
	_ =	sdelay $0x4  }
0x22: {  	v4 =	vshll.u32 v3, $0x3  }
0x23: {  	v3 =	vand.u32 $0x7, v3;
	v4 =	vand.u32 $0xFFFFFFC0, v4  }
0x24: {  	v3 =	vor.u32 v3, v4  }
0x25: {  	v4 =	vperm.xlane v3, v0;
	_ =	sdelay $0x1  }
0x26: {  	v4 =	vadd.s32 v1, v4;
	_ =	sdelay $0x3  }
0x27: {  	s20 =	simm.s32 $0x400  }
0x28: {  	[tilespmem:s20], [sflag:$0x1] =	stream.indirect_vreg.gather [hbm4b:s2+s3], $0x80, v4, vm0, $0xb8;
	[tilespmem:$0x18400] =	vst v63  }
0x29: {  	s11 =	simm.s32 $0xC00;
	v3 =	vperm.xlane v3, v2  }
0x2a: {  	[tilespmem:s11], [sflag:$0x1] =	stream.indirect_vreg.gather [hbm4b:s5+s3], $0x80, v4, vm0, $0xb8;
	[tilespmem:$0x18400] =	vst v63  }
0x2b: {  	s26 =	simm.s32 $0x1400;
	v3 =	vadd.s32 v1, v3  }
0x2c: {  	[tilespmem:s26], [sflag:$0x1] =	stream.indirect_vreg.gather [hbm4b:s6+s3], $0x80, v4, vm0, $0xb8;
	[tilespmem:$0x18400] =	vst v63  }
0x2d: {  	s11 =	simm.s32 $0x1C00  }
0x2e: {  	[tilespmem:s11], [sflag:$0x1] =	stream.indirect_vreg.gather [hbm4b:s8+s3], $0x80, v4, vm0, $0xb8;
	[tilespmem:$0x18400] =	vst v63  }
0x2f: {  	s26 =	simm.s32 $0x2400  }
0x30: {  	[tilespmem:s26], [sflag:$0x1] =	stream.indirect_vreg.gather [hbm4b:s2+s3], $0x80, v3, vm0, $0xb8;
	[tilespmem:$0x18400] =	vst v63  }
0x31: {  	s11 =	simm.s32 $0x2C00  }
0x32: {  	[tilespmem:s11], [sflag:$0x1] =	stream.indirect_vreg.gather [hbm4b:s5+s3], $0x80, v3, vm0, $0xb8;
	[tilespmem:$0x18400] =	vst v63  }
0x33: {  	s26 =	simm.s32 $0x3400  }
0x34: {  	[tilespmem:s26], [sflag:$0x1] =	stream.indirect_vreg.gather [hbm4b:s6+s3], $0x80, v3, vm0, $0xb8;
	[tilespmem:$0x18400] =	vst v63  }
0x35: {  	s11 =	simm.s32 $0x3C00  }
0x36: {  	[tilespmem:s11], [sflag:$0x1] =	stream.indirect_vreg.gather [hbm4b:s8+s3], $0x80, v3, vm0, $0xb8;
	[tilespmem:$0x18400] =	vst v63  }
0x37: {  	v3 =	vld [tilespmem:$0x10];
	_ =	sdelay $0x4  }
0x38: {  	v59 =	vshll.u32 v3, $0x3  }
0x39: {  	v3 =	vand.u32 $0x7, v3;
	v4 =	vand.u32 $0xFFFFFFC0, v59  }
0x3a: {  	v3 =	vor.u32 v3, v4  }
0x3b: {  	v4 =	vperm.xlane v3, v0;
	_ =	sdelay $0x1  }
0x3c: {  	v4 =	vadd.s32 v1, v4;
	_ =	sdelay $0x3  }
0x3d: {  	s11 =	simm.s32 $0x4400  }
0x3e: {  	[tilespmem:s11], [sflag:$0x2] =	stream.indirect_vreg.gather [hbm4b:s2+s3], $0x80, v4, vm0, $0xb8;
	[tilespmem:$0x18400] =	vst v63  }
0x3f: {  	s26 =	simm.s32 $0x4C00;
	v3 =	vperm.xlane v3, v2  }
0x40: {  	[tilespmem:s26], [sflag:$0x2] =	stream.indirect_vreg.gather [hbm4b:s5+s3], $0x80, v4, vm0, $0xb8;
	[tilespmem:$0x18400] =	vst v63  }
0x41: {  	v3 =	vadd.s32 v1, v3;
	s26 =	simm.s32 $0x5400  }
0x42: {  	[tilespmem:s26], [sflag:$0x2] =	stream.indirect_vreg.gather [hbm4b:s6+s3], $0x80, v4, vm0, $0xb8;
	[tilespmem:$0x18400] =	vst v63  }
0x43: {  	s26 =	simm.s32 $0x5C00  }
0x44: {  	[tilespmem:s26], [sflag:$0x2] =	stream.indirect_vreg.gather [hbm4b:s8+s3], $0x80, v4, vm0, $0xb8;
	[tilespmem:$0x18400] =	vst v63  }
0x45: {  	s26 =	simm.s32 $0x6400  }
0x46: {  	[tilespmem:s26], [sflag:$0x2] =	stream.indirect_vreg.gather [hbm4b:s2+s3], $0x80, v3, vm0, $0xb8;
	[tilespmem:$0x18400] =	vst v63  }
0x47: {  	s26 =	simm.s32 $0x6C00  }
0x48: {  	[tilespmem:s26], [sflag:$0x2] =	stream.indirect_vreg.gather [hbm4b:s5+s3], $0x80, v3, vm0, $0xb8;
	[tilespmem:$0x18400] =	vst v63  }
0x49: {  	s26 =	simm.s32 $0x7400  }
0x4a: {  	[tilespmem:s26], [sflag:$0x2] =	stream.indirect_vreg.gather [hbm4b:s6+s3], $0x80, v3, vm0, $0xb8;
	[tilespmem:$0x18400] =	vst v63  }
0x4b: {  	s26 =	simm.s32 $0x7C00  }
0x4c: {  	[tilespmem:s26], [sflag:$0x2] =	stream.indirect_vreg.gather [hbm4b:s8+s3], $0x80, v3, vm0, $0xb8;
	[tilespmem:$0x18400] =	vst v63  }
0x4d: {  	v3 =	vld [tilespmem:$0x20];
	_ =	sdelay $0x4  }
0x4e: {  	v60 =	vshll.u32 v3, $0x3  }
0x4f: {  	v3 =	vand.u32 $0x7, v3;
	v4 =	vand.u32 $0xFFFFFFC0, v60  }
0x50: {  	v3 =	vor.u32 v3, v4  }
0x51: {  	v4 =	vperm.xlane v3, v0;
	_ =	sdelay $0x1  }
0x52: {  	v4 =	vadd.s32 v1, v4;
	_ =	sdelay $0x3  }
0x53: {  	s26 =	simm.s32 $0x8400  }
0x54: {  	[tilespmem:s26], [sflag:$0x3] =	stream.indirect_vreg.gather [hbm4b:s2+s3], $0x80, v4, vm0, $0xb8;
	[tilespmem:$0x18400] =	vst v63  }
0x55: {  	s1 =	simm.s32 $0x8C00;
	v3 =	vperm.xlane v3, v2  }
0x56: {  	[tilespmem:s1], [sflag:$0x3] =	stream.indirect_vreg.gather [hbm4b:s5+s3], $0x80, v4, vm0, $0xb8;
	[tilespmem:$0x18400] =	vst v63  }
0x57: {  	v3 =	vadd.s32 v1, v3;
	s1 =	simm.s32 $0x9400  }
0x58: {  	[tilespmem:s1], [sflag:$0x3] =	stream.indirect_vreg.gather [hbm4b:s6+s3], $0x80, v4, vm0, $0xb8;
	[tilespmem:$0x18400] =	vst v63  }
0x59: {  	s1 =	simm.s32 $0x9C00  }
0x5a: {  	[tilespmem:s1], [sflag:$0x3] =	stream.indirect_vreg.gather [hbm4b:s8+s3], $0x80, v4, vm0, $0xb8;
	[tilespmem:$0x18400] =	vst v63  }
0x5b: {  	s1 =	simm.s32 $0xA400  }
0x5c: {  	[tilespmem:s1], [sflag:$0x3] =	stream.indirect_vreg.gather [hbm4b:s2+s3], $0x80, v3, vm0, $0xb8;
	[tilespmem:$0x18400] =	vst v63  }
0x5d: {  	s1 =	simm.s32 $0xAC00  }
0x5e: {  	[tilespmem:s1], [sflag:$0x3] =	stream.indirect_vreg.gather [hbm4b:s5+s3], $0x80, v3, vm0, $0xb8;
	[tilespmem:$0x18400] =	vst v63  }
0x5f: {  	s1 =	simm.s32 $0xB400  }
0x60: {  	[tilespmem:s1], [sflag:$0x3] =	stream.indirect_vreg.gather [hbm4b:s6+s3], $0x80, v3, vm0, $0xb8;
	[tilespmem:$0x18400] =	vst v63  }
0x61: {  	s1 =	simm.s32 $0xBC00  }
0x62: {  	[tilespmem:s1], [sflag:$0x3] =	stream.indirect_vreg.gather [hbm4b:s8+s3], $0x80, v3, vm0, $0xb8;
	[tilespmem:$0x18400] =	vst v63  }
0x63: {  	_ =	swait.ge [sflag:s7], $0x4000  }
0x64: {  	[sflag:s7] =	ssyncset.done $0x0  }
0x65: {  	s1 =	rddreg [dreg:$0x6];
	[sflag:s7] =	ssyncadd.s32 $0xFFFFC000  }
0x66: {  	[hbm4b:s1+s3] =	stream.linear.scatter [tilespmem:s20], [sflag:$0x7], $0x4000, $0x38;
	[tilespmem:$0x18400] =	vst v63  }
0x67: {  	v3 =	vld [tilespmem:$0x30];
	_ =	sdelay $0x4  }
0x68: {  	v61 =	vshll.u32 v3, $0x3  }
0x69: {  	v3 =	vand.u32 $0x7, v3;
	v4 =	vand.u32 $0xFFFFFFC0, v61  }
0x6a: {  	v3 =	vor.u32 v3, v4  }
0x6b: {  	v4 =	vperm.xlane v3, v0;
	_ =	sdelay $0x1  }
0x6c: {  	v4 =	vadd.s32 v1, v4;
	_ =	sdelay $0x4  }
0x6d: {  	[tilespmem:s19], [sflag:$0x4] =	stream.indirect_vreg.gather [hbm4b:s2+s3], $0x80, v4, vm0, $0xb8;
	[tilespmem:$0x18400] =	vst v63  }
0x6e: {  	s20 =	simm.s32 $0xCC00;
	v3 =	vperm.xlane v3, v2  }
0x6f: {  	[tilespmem:s20], [sflag:$0x4] =	stream.indirect_vreg.gather [hbm4b:s5+s3], $0x80, v4, vm0, $0xb8;
	[tilespmem:$0x18400] =	vst v63  }
0x70: {  	v3 =	vadd.s32 v1, v3;
	s19 =	simm.s32 $0xD400  }
0x71: {  	[tilespmem:s19], [sflag:$0x4] =	stream.indirect_vreg.gather [hbm4b:s6+s3], $0x80, v4, vm0, $0xb8;
	[tilespmem:$0x18400] =	vst v63  }
0x72: {  	s20 =	simm.s32 $0xDC00  }
0x73: {  	[tilespmem:s20], [sflag:$0x4] =	stream.indirect_vreg.gather [hbm4b:s8+s3], $0x80, v4, vm0, $0xb8;
	[tilespmem:$0x18400] =	vst v63  }
0x74: {  	s19 =	simm.s32 $0xE400  }
0x75: {  	[tilespmem:s19], [sflag:$0x4] =	stream.indirect_vreg.gather [hbm4b:s2+s3], $0x80, v3, vm0, $0xb8;
	[tilespmem:$0x18400] =	vst v63  }
0x76: {  	s20 =	simm.s32 $0xEC00  }
0x77: {  	[tilespmem:s20], [sflag:$0x4] =	stream.indirect_vreg.gather [hbm4b:s5+s3], $0x80, v3, vm0, $0xb8;
	[tilespmem:$0x18400] =	vst v63  }
0x78: {  	s19 =	simm.s32 $0xF400  }
0x79: {  	[tilespmem:s19], [sflag:$0x4] =	stream.indirect_vreg.gather [hbm4b:s6+s3], $0x80, v3, vm0, $0xb8;
	[tilespmem:$0x18400] =	vst v63  }
0x7a: {  	s20 =	simm.s32 $0xFC00  }
0x7b: {  	[tilespmem:s20], [sflag:$0x4] =	stream.indirect_vreg.gather [hbm4b:s8+s3], $0x80, v3, vm0, $0xb8;
	[tilespmem:$0x18400] =	vst v63  }
0x7c: {  	_ =	swait.ge [sflag:s30], $0x4000  }
0x7d: {  	[sflag:s30] =	ssyncset.done $0x0  }
0x7e: {  	s19 =	rddreg [dreg:$0x7];
	[sflag:s30] =	ssyncadd.s32 $0xFFFFC000  }
0x7f: {  	[hbm4b:s19+s3] =	stream.linear.scatter [tilespmem:s11], [sflag:$0x8], $0x4000, $0x38;
	[tilespmem:$0x18400] =	vst v63  }
0x80: {  	v3 =	vld [tilespmem:$0x40];
	_ =	sdelay $0x4  }
0x81: {  	v62 =	vshll.u32 v3, $0x3  }
0x82: {  	v3 =	vand.u32 $0x7, v3;
	v4 =	vand.u32 $0xFFFFFFC0, v62  }
0x83: {  	v3 =	vor.u32 v3, v4  }
0x84: {  	v4 =	vperm.xlane v3, v0;
	_ =	sdelay $0x1  }
0x85: {  	v4 =	vadd.s32 v1, v4;
	_ =	sdelay $0x4  }
0x86: {  	[tilespmem:s29], [sflag:$0x5] =	stream.indirect_vreg.gather [hbm4b:s2+s3], $0x80, v4, vm0, $0xb8;
	[tilespmem:$0x18400] =	vst v63  }
0x87: {  	v3 =	vperm.xlane v3, v2  }
0x88: {  	[tilespmem:s16], [sflag:$0x5] =	stream.indirect_vreg.gather [hbm4b:s5+s3], $0x80, v4, vm0, $0xb8;
	[tilespmem:$0x18400] =	vst v63  }
0x89: {  	v3 =	vadd.s32 v1, v3  }
0x8a: {  	[tilespmem:s4], [sflag:$0x5] =	stream.indirect_vreg.gather [hbm4b:s6+s3], $0x80, v4, vm0, $0xb8;
	[tilespmem:$0x18400] =	vst v63  }
0x8b: {  	_ = 	snop  }
0x8c: {  	[tilespmem:s17], [sflag:$0x5] =	stream.indirect_vreg.gather [hbm4b:s8+s3], $0x80, v4, vm0, $0xb8;
	[tilespmem:$0x18400] =	vst v63  }
0x8d: {  	_ = 	snop  }
0x8e: {  	[tilespmem:s9], [sflag:$0x5] =	stream.indirect_vreg.gather [hbm4b:s2+s3], $0x80, v3, vm0, $0xb8;
	[tilespmem:$0x18400] =	vst v63  }
0x8f: {  	_ = 	snop  }
0x90: {  	[tilespmem:s18], [sflag:$0x5] =	stream.indirect_vreg.gather [hbm4b:s5+s3], $0x80, v3, vm0, $0xb8;
	[tilespmem:$0x18400] =	vst v63  }
0x91: {  	_ = 	snop  }
0x92: {  	[tilespmem:s15], [sflag:$0x5] =	stream.indirect_vreg.gather [hbm4b:s6+s3], $0x80, v3, vm0, $0xb8;
	[tilespmem:$0x18400] =	vst v63  }
0x93: {  	_ = 	snop  }
0x94: {  	[tilespmem:s28], [sflag:$0x5] =	stream.indirect_vreg.gather [hbm4b:s8+s3], $0x80, v3, vm0, $0xb8;
	[tilespmem:$0x18400] =	vst v63  }
0x95: {  	_ =	swait.ge [sflag:s14], $0x4000  }
0x96: {  	[sflag:s14] =	ssyncset.done $0x0  }
0x97: {  	s20 =	rddreg [dreg:$0x8];
	[sflag:s14] =	ssyncadd.s32 $0xFFFFC000  }
0x98: {  	[hbm4b:s20+s3] =	stream.linear.scatter [tilespmem:s26], [sflag:$0x9], $0x4000, $0x38;
	[tilespmem:$0x18400] =	vst v63  }
0x99: {  	v3 =	vld [tilespmem:$0x50];
	_ =	sdelay $0x4  }
0x9a: {  	v63 =	vshll.u32 v3, $0x3  }
0x9b: {  	v3 =	vand.u32 $0x7, v3;
	v4 =	vand.u32 $0xFFFFFFC0, v63  }
0x9c: {  	v3 =	vor.u32 v3, v4  }
0x9d: {  	v4 =	vperm.xlane v3, v0;
	_ =	sdelay $0x1  }
0x9e: {  	v4 =	vadd.s32 v1, v4;
	_ =	sdelay $0x4  }
0x9f: {  	[tilespmem:s31], [sflag:$0x6] =	stream.indirect_vreg.gather [hbm4b:s2+s3], $0x80, v4, vm0, $0xb8;
	[tilespmem:$0x18400] =	vst v63  }
0xa0: {  	s26 =	simm.s32 $0x14C00;
	v3 =	vperm.xlane v3, v2  }
0xa1: {  	[tilespmem:s26], [sflag:$0x6] =	stream.indirect_vreg.gather [hbm4b:s5+s3], $0x80, v4, vm0, $0xb8;
	[tilespmem:$0x18400] =	vst v63  }
0xa2: {  	s28 =	simm.s32 $0x15400;
	v3 =	vadd.s32 v1, v3  }
0xa3: {  	[tilespmem:s28], [sflag:$0x6] =	stream.indirect_vreg.gather [hbm4b:s6+s3], $0x80, v4, vm0, $0xb8;
	[tilespmem:$0x18400] =	vst v63  }
0xa4: {  	s29 =	simm.s32 $0x15C00  }
0xa5: {  	[tilespmem:s29], [sflag:$0x6] =	stream.indirect_vreg.gather [hbm4b:s8+s3], $0x80, v4, vm0, $0xb8;
	[tilespmem:$0x18400] =	vst v63  }
0xa6: {  	s31 =	simm.s32 $0x16400  }
0xa7: {  	[tilespmem:s31], [sflag:$0x6] =	stream.indirect_vreg.gather [hbm4b:s2+s3], $0x80, v3, vm0, $0xb8;
	[tilespmem:$0x18400] =	vst v63  }
0xa8: {  	s18 =	simm.s32 $0x16C00  }
0xa9: {  	[tilespmem:s18], [sflag:$0x6] =	stream.indirect_vreg.gather [hbm4b:s5+s3], $0x80, v3, vm0, $0xb8;
	[tilespmem:$0x18400] =	vst v63  }
0xaa: {  	s16 =	simm.s32 $0x0;
	s20 =	simm.s32 $0x17400  }
0xab: {  	[tilespmem:s20], [sflag:$0x6] =	stream.indirect_vreg.gather [hbm4b:s6+s3], $0x80, v3, vm0, $0xb8;
	[tilespmem:$0x18400] =	vst v63  }
0xac: {  	s4 =	simm.s32 $0x13C00;
	s17 =	simm.s32 $0x17C00;
	s26 =	simm.s32 $0xB0  }
0xad: {  	[tilespmem:s17], [sflag:$0x6] =	stream.indirect_vreg.gather [hbm4b:s8+s3], $0x80, v3, vm0, $0xb8;
	[tilespmem:$0x18400] =	vst v63  }
.LBB2_2:
0xae: {  	_ =	swait.ge [sflag:s10], $0x4000  }
0xaf: {  	s28 =	rddreg [dreg:$0x4]  }
0xb0: {  	[sflag:s10] =	ssyncset.done $0x0;
	s28 =	sadd.s32 s16, s28  }
0xb1: {  	s15 =	simm.s32 $0xC400;
	[sflag:s10] =	ssyncadd.s32 $0xFFFFC000;
	s1 =	sadd.s32 $0x1800, s28  }
0xb2: {  	[hbm4b:s1+s3] =	stream.linear.scatter [tilespmem:s15], [sflag:$0xA], $0x4000, $0x38;
	[tilespmem:$0x18400] =	vst v63  }
0xb3: {  	_ =	swait.ge [sflag:s21], $0x4000  }
0xb4: {  	[sflag:s21] =	ssyncset.done $0x0  }
0xb5: {  	[sflag:s21] =	ssyncadd.s32 $0xFFFFC000  }
0xb6: {  	v3 =	vld [tilespmem:s26+$0xFFFFFFB0];
	_ =	sdelay $0x4  }
0xb7: {  	v4 =	vshll.u32 v3, $0x3  }
0xb8: {  	v3 =	vand.u32 $0x7, v3;
	v4 =	vand.u32 $0xFFFFFFC0, v4  }
0xb9: {  	v3 =	vor.u32 v3, v4  }
0xba: {  	v4 =	vperm.xlane v3, v0;
	_ =	sdelay $0x1  }
0xbb: {  	v4 =	vadd.s32 v1, v4;
	_ =	sdelay $0x3  }
0xbc: {  	s29 =	simm.s32 $0x400  }
0xbd: {  	[tilespmem:s29], [sflag:$0x1] =	stream.indirect_vreg.gather [hbm4b:s2+s3], $0x80, v4, vm0, $0xb8;
	[tilespmem:$0x18400] =	vst v63  }
0xbe: {  	s9 =	simm.s32 $0xC00;
	v3 =	vperm.xlane v3, v2  }
0xbf: {  	[tilespmem:s9], [sflag:$0x1] =	stream.indirect_vreg.gather [hbm4b:s5+s3], $0x80, v4, vm0, $0xb8;
	[tilespmem:$0x18400] =	vst v63  }
0xc0: {  	s11 =	simm.s32 $0x1400;
	v3 =	vadd.s32 v1, v3  }
0xc1: {  	[tilespmem:s11], [sflag:$0x1] =	stream.indirect_vreg.gather [hbm4b:s6+s3], $0x80, v4, vm0, $0xb8;
	[tilespmem:$0x18400] =	vst v63  }
0xc2: {  	s19 =	simm.s32 $0x1C00  }
0xc3: {  	[tilespmem:s19], [sflag:$0x1] =	stream.indirect_vreg.gather [hbm4b:s8+s3], $0x80, v4, vm0, $0xb8;
	[tilespmem:$0x18400] =	vst v63  }
0xc4: {  	s9 =	simm.s32 $0x2400  }
0xc5: {  	[tilespmem:s9], [sflag:$0x1] =	stream.indirect_vreg.gather [hbm4b:s2+s3], $0x80, v3, vm0, $0xb8;
	[tilespmem:$0x18400] =	vst v63  }
0xc6: {  	s11 =	simm.s32 $0x2C00  }
0xc7: {  	[tilespmem:s11], [sflag:$0x1] =	stream.indirect_vreg.gather [hbm4b:s5+s3], $0x80, v3, vm0, $0xb8;
	[tilespmem:$0x18400] =	vst v63  }
0xc8: {  	s19 =	simm.s32 $0x3400  }
0xc9: {  	[tilespmem:s19], [sflag:$0x1] =	stream.indirect_vreg.gather [hbm4b:s6+s3], $0x80, v3, vm0, $0xb8;
	[tilespmem:$0x18400] =	vst v63  }
0xca: {  	s9 =	simm.s32 $0x3C00  }
0xcb: {  	[tilespmem:s9], [sflag:$0x1] =	stream.indirect_vreg.gather [hbm4b:s8+s3], $0x80, v3, vm0, $0xb8;
	[tilespmem:$0x18400] =	vst v63  }
0xcc: {  	_ =	swait.ge [sflag:s12], $0x4000  }
0xcd: {  	[sflag:s12] =	ssyncset.done $0x0  }
0xce: {  	s11 =	sadd.s32 $0x2000, s28;
	s19 =	simm.s32 $0x10400;
	[sflag:s12] =	ssyncadd.s32 $0xFFFFC000  }
0xcf: {  	[hbm4b:s11+s3] =	stream.linear.scatter [tilespmem:s19], [sflag:$0xB], $0x4000, $0x38;
	[tilespmem:$0x18400] =	vst v63  }
0xd0: {  	_ =	swait.ge [sflag:s22], $0x4000  }
0xd1: {  	[sflag:s22] =	ssyncset.done $0x0  }
0xd2: {  	[sflag:s22] =	ssyncadd.s32 $0xFFFFC000  }
0xd3: {  	v3 =	vld [tilespmem:s26+$0xFFFFFFC0];
	_ =	sdelay $0x4  }
0xd4: {  	v59 =	vshll.u32 v3, $0x3  }
0xd5: {  	v3 =	vand.u32 $0x7, v3;
	v4 =	vand.u32 $0xFFFFFFC0, v59  }
0xd6: {  	v3 =	vor.u32 v3, v4  }
0xd7: {  	v4 =	vperm.xlane v3, v0;
	_ =	sdelay $0x1  }
0xd8: {  	v4 =	vadd.s32 v1, v4;
	_ =	sdelay $0x3  }
0xd9: {  	s11 =	simm.s32 $0x4400  }
0xda: {  	[tilespmem:s11], [sflag:$0x2] =	stream.indirect_vreg.gather [hbm4b:s2+s3], $0x80, v4, vm0, $0xb8;
	[tilespmem:$0x18400] =	vst v63  }
0xdb: {  	s9 =	simm.s32 $0x4C00;
	v3 =	vperm.xlane v3, v2  }
0xdc: {  	[tilespmem:s9], [sflag:$0x2] =	stream.indirect_vreg.gather [hbm4b:s5+s3], $0x80, v4, vm0, $0xb8;
	[tilespmem:$0x18400] =	vst v63  }
0xdd: {  	v3 =	vadd.s32 v1, v3;
	s9 =	simm.s32 $0x5400  }
0xde: {  	[tilespmem:s9], [sflag:$0x2] =	stream.indirect_vreg.gather [hbm4b:s6+s3], $0x80, v4, vm0, $0xb8;
	[tilespmem:$0x18400] =	vst v63  }
0xdf: {  	s9 =	simm.s32 $0x5C00  }
0xe0: {  	[tilespmem:s9], [sflag:$0x2] =	stream.indirect_vreg.gather [hbm4b:s8+s3], $0x80, v4, vm0, $0xb8;
	[tilespmem:$0x18400] =	vst v63  }
0xe1: {  	s9 =	simm.s32 $0x6400  }
0xe2: {  	[tilespmem:s9], [sflag:$0x2] =	stream.indirect_vreg.gather [hbm4b:s2+s3], $0x80, v3, vm0, $0xb8;
	[tilespmem:$0x18400] =	vst v63  }
0xe3: {  	s9 =	simm.s32 $0x6C00  }
0xe4: {  	[tilespmem:s9], [sflag:$0x2] =	stream.indirect_vreg.gather [hbm4b:s5+s3], $0x80, v3, vm0, $0xb8;
	[tilespmem:$0x18400] =	vst v63  }
0xe5: {  	s9 =	simm.s32 $0x7400  }
0xe6: {  	[tilespmem:s9], [sflag:$0x2] =	stream.indirect_vreg.gather [hbm4b:s6+s3], $0x80, v3, vm0, $0xb8;
	[tilespmem:$0x18400] =	vst v63  }
0xe7: {  	s9 =	simm.s32 $0x7C00  }
0xe8: {  	[tilespmem:s9], [sflag:$0x2] =	stream.indirect_vreg.gather [hbm4b:s8+s3], $0x80, v3, vm0, $0xb8;
	[tilespmem:$0x18400] =	vst v63  }
0xe9: {  	_ =	swait.ge [sflag:s13], $0x4000  }
0xea: {  	[sflag:s13] =	ssyncset.done $0x0  }
0xeb: {  	s1 =	sadd.s32 $0x2800, s28;
	s9 =	simm.s32 $0x14400;
	[sflag:s13] =	ssyncadd.s32 $0xFFFFC000  }
0xec: {  	[hbm4b:s1+s3] =	stream.linear.scatter [tilespmem:s9], [sflag:$0xC], $0x4000, $0x38;
	[tilespmem:$0x18400] =	vst v63  }
0xed: {  	_ =	swait.ge [sflag:s23], $0x4000  }
0xee: {  	[sflag:s23] =	ssyncset.done $0x0  }
0xef: {  	[sflag:s23] =	ssyncadd.s32 $0xFFFFC000  }
0xf0: {  	v3 =	vld [tilespmem:s26+$0xFFFFFFD0];
	_ =	sdelay $0x4  }
0xf1: {  	v60 =	vshll.u32 v3, $0x3  }
0xf2: {  	v3 =	vand.u32 $0x7, v3;
	v4 =	vand.u32 $0xFFFFFFC0, v60  }
0xf3: {  	v3 =	vor.u32 v3, v4  }
0xf4: {  	v4 =	vperm.xlane v3, v0;
	_ =	sdelay $0x1  }
0xf5: {  	v4 =	vadd.s32 v1, v4;
	_ =	sdelay $0x3  }
0xf6: {  	s31 =	simm.s32 $0x8400  }
0xf7: {  	[tilespmem:s31], [sflag:$0x3] =	stream.indirect_vreg.gather [hbm4b:s2+s3], $0x80, v4, vm0, $0xb8;
	[tilespmem:$0x18400] =	vst v63  }
0xf8: {  	s1 =	simm.s32 $0x8C00;
	v3 =	vperm.xlane v3, v2  }
0xf9: {  	[tilespmem:s1], [sflag:$0x3] =	stream.indirect_vreg.gather [hbm4b:s5+s3], $0x80, v4, vm0, $0xb8;
	[tilespmem:$0x18400] =	vst v63  }
0xfa: {  	v3 =	vadd.s32 v1, v3;
	s1 =	simm.s32 $0x9400  }
0xfb: {  	[tilespmem:s1], [sflag:$0x3] =	stream.indirect_vreg.gather [hbm4b:s6+s3], $0x80, v4, vm0, $0xb8;
	[tilespmem:$0x18400] =	vst v63  }
0xfc: {  	s1 =	simm.s32 $0x9C00  }
0xfd: {  	[tilespmem:s1], [sflag:$0x3] =	stream.indirect_vreg.gather [hbm4b:s8+s3], $0x80, v4, vm0, $0xb8;
	[tilespmem:$0x18400] =	vst v63  }
0xfe: {  	s1 =	simm.s32 $0xA400  }
0xff: {  	[tilespmem:s1], [sflag:$0x3] =	stream.indirect_vreg.gather [hbm4b:s2+s3], $0x80, v3, vm0, $0xb8;
	[tilespmem:$0x18400] =	vst v63  }
0x100: {  	s1 =	simm.s32 $0xAC00  }
0x101: {  	[tilespmem:s1], [sflag:$0x3] =	stream.indirect_vreg.gather [hbm4b:s5+s3], $0x80, v3, vm0, $0xb8;
	[tilespmem:$0x18400] =	vst v63  }
0x102: {  	s1 =	simm.s32 $0xB400  }
0x103: {  	[tilespmem:s1], [sflag:$0x3] =	stream.indirect_vreg.gather [hbm4b:s6+s3], $0x80, v3, vm0, $0xb8;
	[tilespmem:$0x18400] =	vst v63  }
0x104: {  	s1 =	simm.s32 $0xBC00  }
0x105: {  	[tilespmem:s1], [sflag:$0x3] =	stream.indirect_vreg.gather [hbm4b:s8+s3], $0x80, v3, vm0, $0xb8;
	[tilespmem:$0x18400] =	vst v63  }
0x106: {  	_ =	swait.ge [sflag:s7], $0x4000  }
0x107: {  	[sflag:s7] =	ssyncset.done $0x0  }
0x108: {  	s1 =	sadd.s32 $0x3000, s28;
	[sflag:s7] =	ssyncadd.s32 $0xFFFFC000  }
0x109: {  	[hbm4b:s1+s3] =	stream.linear.scatter [tilespmem:s29], [sflag:$0x7], $0x4000, $0x38;
	[tilespmem:$0x18400] =	vst v63  }
0x10a: {  	_ =	swait.ge [sflag:s24], $0x4000  }
0x10b: {  	[sflag:s24] =	ssyncset.done $0x0  }
0x10c: {  	[sflag:s24] =	ssyncadd.s32 $0xFFFFC000  }
0x10d: {  	v3 =	vld [tilespmem:s26+$0xFFFFFFE0];
	_ =	sdelay $0x4  }
0x10e: {  	v61 =	vshll.u32 v3, $0x3  }
0x10f: {  	v3 =	vand.u32 $0x7, v3;
	v4 =	vand.u32 $0xFFFFFFC0, v61  }
0x110: {  	v3 =	vor.u32 v3, v4  }
0x111: {  	v4 =	vperm.xlane v3, v0;
	_ =	sdelay $0x1  }
0x112: {  	v4 =	vadd.s32 v1, v4;
	_ =	sdelay $0x4  }
0x113: {  	[tilespmem:s15], [sflag:$0x4] =	stream.indirect_vreg.gather [hbm4b:s2+s3], $0x80, v4, vm0, $0xb8;
	[tilespmem:$0x18400] =	vst v63  }
0x114: {  	s1 =	simm.s32 $0xCC00;
	v3 =	vperm.xlane v3, v2  }
0x115: {  	[tilespmem:s1], [sflag:$0x4] =	stream.indirect_vreg.gather [hbm4b:s5+s3], $0x80, v4, vm0, $0xb8;
	[tilespmem:$0x18400] =	vst v63  }
0x116: {  	v3 =	vadd.s32 v1, v3;
	s1 =	simm.s32 $0xD400  }
0x117: {  	[tilespmem:s1], [sflag:$0x4] =	stream.indirect_vreg.gather [hbm4b:s6+s3], $0x80, v4, vm0, $0xb8;
	[tilespmem:$0x18400] =	vst v63  }
0x118: {  	s1 =	simm.s32 $0xDC00  }
0x119: {  	[tilespmem:s1], [sflag:$0x4] =	stream.indirect_vreg.gather [hbm4b:s8+s3], $0x80, v4, vm0, $0xb8;
	[tilespmem:$0x18400] =	vst v63  }
0x11a: {  	s1 =	simm.s32 $0xE400  }
0x11b: {  	[tilespmem:s1], [sflag:$0x4] =	stream.indirect_vreg.gather [hbm4b:s2+s3], $0x80, v3, vm0, $0xb8;
	[tilespmem:$0x18400] =	vst v63  }
0x11c: {  	s1 =	simm.s32 $0xEC00  }
0x11d: {  	[tilespmem:s1], [sflag:$0x4] =	stream.indirect_vreg.gather [hbm4b:s5+s3], $0x80, v3, vm0, $0xb8;
	[tilespmem:$0x18400] =	vst v63  }
0x11e: {  	s1 =	simm.s32 $0xF400  }
0x11f: {  	[tilespmem:s1], [sflag:$0x4] =	stream.indirect_vreg.gather [hbm4b:s6+s3], $0x80, v3, vm0, $0xb8;
	[tilespmem:$0x18400] =	vst v63  }
0x120: {  	s1 =	simm.s32 $0xFC00  }
0x121: {  	[tilespmem:s1], [sflag:$0x4] =	stream.indirect_vreg.gather [hbm4b:s8+s3], $0x80, v3, vm0, $0xb8;
	[tilespmem:$0x18400] =	vst v63  }
0x122: {  	_ =	swait.ge [sflag:s30], $0x4000  }
0x123: {  	[sflag:s30] =	ssyncset.done $0x0  }
0x124: {  	s1 =	sadd.s32 $0x3800, s28;
	[sflag:s30] =	ssyncadd.s32 $0xFFFFC000  }
0x125: {  	[hbm4b:s1+s3] =	stream.linear.scatter [tilespmem:s11], [sflag:$0x8], $0x4000, $0x38;
	[tilespmem:$0x18400] =	vst v63  }
0x126: {  	_ =	swait.ge [sflag:s25], $0x4000  }
0x127: {  	[sflag:s25] =	ssyncset.done $0x0  }
0x128: {  	[sflag:s25] =	ssyncadd.s32 $0xFFFFC000  }
0x129: {  	v3 =	vld [tilespmem:s26+$0xFFFFFFF0];
	_ =	sdelay $0x4  }
0x12a: {  	v62 =	vshll.u32 v3, $0x3  }
0x12b: {  	v3 =	vand.u32 $0x7, v3;
	v4 =	vand.u32 $0xFFFFFFC0, v62  }
0x12c: {  	v3 =	vor.u32 v3, v4  }
0x12d: {  	v4 =	vperm.xlane v3, v0;
	_ =	sdelay $0x1  }
0x12e: {  	v4 =	vadd.s32 v1, v4;
	_ =	sdelay $0x4  }
0x12f: {  	[tilespmem:s19], [sflag:$0x5] =	stream.indirect_vreg.gather [hbm4b:s2+s3], $0x80, v4, vm0, $0xb8;
	[tilespmem:$0x18400] =	vst v63  }
0x130: {  	v3 =	vperm.xlane v3, v2;
	s19 =	simm.s32 $0x10C00  }
0x131: {  	[tilespmem:s19], [sflag:$0x5] =	stream.indirect_vreg.gather [hbm4b:s5+s3], $0x80, v4, vm0, $0xb8;
	[tilespmem:$0x18400] =	vst v63  }
0x132: {  	s11 =	simm.s32 $0x11400;
	v3 =	vadd.s32 v1, v3  }
0x133: {  	[tilespmem:s11], [sflag:$0x5] =	stream.indirect_vreg.gather [hbm4b:s6+s3], $0x80, v4, vm0, $0xb8;
	[tilespmem:$0x18400] =	vst v63  }
0x134: {  	s19 =	simm.s32 $0x11C00  }
0x135: {  	[tilespmem:s19], [sflag:$0x5] =	stream.indirect_vreg.gather [hbm4b:s8+s3], $0x80, v4, vm0, $0xb8;
	[tilespmem:$0x18400] =	vst v63  }
0x136: {  	s11 =	simm.s32 $0x12400  }
0x137: {  	[tilespmem:s11], [sflag:$0x5] =	stream.indirect_vreg.gather [hbm4b:s2+s3], $0x80, v3, vm0, $0xb8;
	[tilespmem:$0x18400] =	vst v63  }
0x138: {  	s19 =	simm.s32 $0x12C00  }
0x139: {  	[tilespmem:s19], [sflag:$0x5] =	stream.indirect_vreg.gather [hbm4b:s5+s3], $0x80, v3, vm0, $0xb8;
	[tilespmem:$0x18400] =	vst v63  }
0x13a: {  	s15 =	simm.s32 $0x13400  }
0x13b: {  	[tilespmem:s15], [sflag:$0x5] =	stream.indirect_vreg.gather [hbm4b:s6+s3], $0x80, v3, vm0, $0xb8;
	[tilespmem:$0x18400] =	vst v63  }
0x13c: {  	_ = 	snop  }
0x13d: {  	[tilespmem:s4], [sflag:$0x5] =	stream.indirect_vreg.gather [hbm4b:s8+s3], $0x80, v3, vm0, $0xb8;
	[tilespmem:$0x18400] =	vst v63  }
0x13e: {  	_ =	swait.ge [sflag:s14], $0x4000  }
0x13f: {  	[sflag:s14] =	ssyncset.done $0x0  }
0x140: {  	s28 =	sadd.s32 $0x4000, s28;
	[sflag:s14] =	ssyncadd.s32 $0xFFFFC000  }
0x141: {  	[hbm4b:s28+s3] =	stream.linear.scatter [tilespmem:s31], [sflag:$0x9], $0x4000, $0x38;
	[tilespmem:$0x18400] =	vst v63  }
0x142: {  	_ =	swait.ge [sflag:s0], $0x4000  }
0x143: {  	[sflag:s0] =	ssyncset.done $0x0  }
0x144: {  	[sflag:s0] =	ssyncadd.s32 $0xFFFFC000  }
0x145: {  	v3 =	vld [tilespmem:s26+$0x0];
	_ =	sdelay $0x4  }
0x146: {  	v63 =	vshll.u32 v3, $0x3  }
0x147: {  	v3 =	vand.u32 $0x7, v3;
	v4 =	vand.u32 $0xFFFFFFC0, v63  }
0x148: {  	v3 =	vor.u32 v3, v4  }
0x149: {  	v4 =	vperm.xlane v3, v0;
	_ =	sdelay $0x1  }
0x14a: {  	v4 =	vadd.s32 v1, v4;
	_ =	sdelay $0x4  }
0x14b: {  	[tilespmem:s9], [sflag:$0x6] =	stream.indirect_vreg.gather [hbm4b:s2+s3], $0x80, v4, vm0, $0xb8;
	[tilespmem:$0x18400] =	vst v63  }
0x14c: {  	v3 =	vperm.xlane v3, v2;
	s9 =	simm.s32 $0x14C00  }
0x14d: {  	[tilespmem:s9], [sflag:$0x6] =	stream.indirect_vreg.gather [hbm4b:s5+s3], $0x80, v4, vm0, $0xb8;
	[tilespmem:$0x18400] =	vst v63  }
0x14e: {  	s11 =	simm.s32 $0x15400;
	v3 =	vadd.s32 v1, v3  }
0x14f: {  	[tilespmem:s11], [sflag:$0x6] =	stream.indirect_vreg.gather [hbm4b:s6+s3], $0x80, v4, vm0, $0xb8;
	[tilespmem:$0x18400] =	vst v63  }
0x150: {  	s19 =	simm.s32 $0x15C00  }
0x151: {  	[tilespmem:s19], [sflag:$0x6] =	stream.indirect_vreg.gather [hbm4b:s8+s3], $0x80, v4, vm0, $0xb8;
	[tilespmem:$0x18400] =	vst v63  }
0x152: {  	s28 =	simm.s32 $0x16400  }
0x153: {  	[tilespmem:s28], [sflag:$0x6] =	stream.indirect_vreg.gather [hbm4b:s2+s3], $0x80, v3, vm0, $0xb8;
	[tilespmem:$0x18400] =	vst v63  }
0x154: {  	p0 =	sne.s32 s16, $0x18000  }
0x155: {  	[tilespmem:s18], [sflag:$0x6] =	stream.indirect_vreg.gather [hbm4b:s5+s3], $0x80, v3, vm0, $0xb8;
	[tilespmem:$0x18400] =	vst v63  }
.Ltmp0:
0x156: {  	_ = 	snop;
	(pc) =	sbr.rel @p0 .LBB2_2-.Ltmp0, $4  }
0x157: {  	s16 =	sadd.s32 $0x3000, s16  }
0x158: {  	[tilespmem:s20], [sflag:$0x6] =	stream.indirect_vreg.gather [hbm4b:s6+s3], $0x80, v3, vm0, $0xb8;
	[tilespmem:$0x18400] =	vst v63  }
0x159: {  	s29 =	simm.s32 $0x10400;
	s31 =	simm.s32 $0x14400;
	s26 =	sadd.s32 $0x60, s26  }
0x15a: {  	[tilespmem:s17], [sflag:$0x6] =	stream.indirect_vreg.gather [hbm4b:s8+s3], $0x80, v3, vm0, $0xb8;
	[tilespmem:$0x18400] =	vst v63  }
0x15b: {  	_ =	swait.ge [sflag:s10], $0x4000  }
0x15c: {  	[sflag:s10] =	ssyncset.done $0x0  }
0x15d: {  	s16 =	simm.s32 $0xC400;
	s1 =	rddreg [dreg:$0x9];
	[sflag:s10] =	ssyncadd.s32 $0xFFFFC000  }
0x15e: {  	[hbm4b:s1+s3] =	stream.linear.scatter [tilespmem:s16], [sflag:$0xA], $0x4000, $0x38;
	[tilespmem:$0x18400] =	vst v63  }
0x15f: {  	_ =	swait.ge [sflag:s21], $0x4000  }
0x160: {  	[sflag:s21] =	ssyncset.done $0x0  }
0x161: {  	[sflag:s21] =	ssyncadd.s32 $0xFFFFC000  }
0x162: {  	v3 =	vld [tilespmem:$0x3C0];
	_ =	sdelay $0x4  }
0x163: {  	v4 =	vshll.u32 v3, $0x3  }
0x164: {  	v3 =	vand.u32 $0x7, v3;
	v4 =	vand.u32 $0xFFFFFFC0, v4  }
0x165: {  	v3 =	vor.u32 v3, v4  }
0x166: {  	v4 =	vperm.xlane v3, v0;
	_ =	sdelay $0x1  }
0x167: {  	v4 =	vadd.s32 v1, v4;
	_ =	sdelay $0x3  }
0x168: {  	s4 =	simm.s32 $0x400  }
0x169: {  	[tilespmem:s4], [sflag:$0x1] =	stream.indirect_vreg.gather [hbm4b:s2+s3], $0x80, v4, vm0, $0xb8;
	[tilespmem:$0x18400] =	vst v63  }
0x16a: {  	s9 =	simm.s32 $0xC00;
	v3 =	vperm.xlane v3, v2  }
0x16b: {  	[tilespmem:s9], [sflag:$0x1] =	stream.indirect_vreg.gather [hbm4b:s5+s3], $0x80, v4, vm0, $0xb8;
	[tilespmem:$0x18400] =	vst v63  }
0x16c: {  	s11 =	simm.s32 $0x1400;
	v3 =	vadd.s32 v1, v3  }
0x16d: {  	[tilespmem:s11], [sflag:$0x1] =	stream.indirect_vreg.gather [hbm4b:s6+s3], $0x80, v4, vm0, $0xb8;
	[tilespmem:$0x18400] =	vst v63  }
0x16e: {  	s17 =	simm.s32 $0x1C00  }
0x16f: {  	[tilespmem:s17], [sflag:$0x1] =	stream.indirect_vreg.gather [hbm4b:s8+s3], $0x80, v4, vm0, $0xb8;
	[tilespmem:$0x18400] =	vst v63  }
0x170: {  	s18 =	simm.s32 $0x2400  }
0x171: {  	[tilespmem:s18], [sflag:$0x1] =	stream.indirect_vreg.gather [hbm4b:s2+s3], $0x80, v3, vm0, $0xb8;
	[tilespmem:$0x18400] =	vst v63  }
0x172: {  	s19 =	simm.s32 $0x2C00  }
0x173: {  	[tilespmem:s19], [sflag:$0x1] =	stream.indirect_vreg.gather [hbm4b:s5+s3], $0x80, v3, vm0, $0xb8;
	[tilespmem:$0x18400] =	vst v63  }
0x174: {  	s20 =	simm.s32 $0x3400  }
0x175: {  	[tilespmem:s20], [sflag:$0x1] =	stream.indirect_vreg.gather [hbm4b:s6+s3], $0x80, v3, vm0, $0xb8;
	[tilespmem:$0x18400] =	vst v63  }
0x176: {  	s26 =	simm.s32 $0x3C00  }
0x177: {  	[tilespmem:s26], [sflag:$0x1] =	stream.indirect_vreg.gather [hbm4b:s8+s3], $0x80, v3, vm0, $0xb8;
	[tilespmem:$0x18400] =	vst v63  }
0x178: {  	_ =	swait.ge [sflag:s12], $0x4000  }
0x179: {  	[sflag:s12] =	ssyncset.done $0x0  }
0x17a: {  	s9 =	rddreg [dreg:$0xa];
	[sflag:s12] =	ssyncadd.s32 $0xFFFFC000  }
0x17b: {  	[hbm4b:s9+s3] =	stream.linear.scatter [tilespmem:s29], [sflag:$0xB], $0x4000, $0x38;
	[tilespmem:$0x18400] =	vst v63  }
0x17c: {  	_ =	swait.ge [sflag:s22], $0x4000  }
0x17d: {  	[sflag:s22] =	ssyncset.done $0x0  }
0x17e: {  	[sflag:s22] =	ssyncadd.s32 $0xFFFFC000  }
0x17f: {  	v3 =	vld [tilespmem:$0x3D0];
	_ =	sdelay $0x4  }
0x180: {  	v61 =	vshll.u32 v3, $0x3  }
0x181: {  	v3 =	vand.u32 $0x7, v3;
	v4 =	vand.u32 $0xFFFFFFC0, v61  }
0x182: {  	v3 =	vor.u32 v3, v4  }
0x183: {  	v4 =	vperm.xlane v3, v0;
	_ =	sdelay $0x1  }
0x184: {  	v4 =	vadd.s32 v1, v4;
	_ =	sdelay $0x3  }
0x185: {  	s9 =	simm.s32 $0x4400  }
0x186: {  	[tilespmem:s9], [sflag:$0x2] =	stream.indirect_vreg.gather [hbm4b:s2+s3], $0x80, v4, vm0, $0xb8;
	[tilespmem:$0x18400] =	vst v63  }
0x187: {  	s11 =	simm.s32 $0x4C00;
	v3 =	vperm.xlane v3, v2  }
0x188: {  	[tilespmem:s11], [sflag:$0x2] =	stream.indirect_vreg.gather [hbm4b:s5+s3], $0x80, v4, vm0, $0xb8;
	[tilespmem:$0x18400] =	vst v63  }
0x189: {  	s17 =	simm.s32 $0x5400;
	v3 =	vadd.s32 v1, v3  }
0x18a: {  	[tilespmem:s17], [sflag:$0x2] =	stream.indirect_vreg.gather [hbm4b:s6+s3], $0x80, v4, vm0, $0xb8;
	[tilespmem:$0x18400] =	vst v63  }
0x18b: {  	s18 =	simm.s32 $0x5C00  }
0x18c: {  	[tilespmem:s18], [sflag:$0x2] =	stream.indirect_vreg.gather [hbm4b:s8+s3], $0x80, v4, vm0, $0xb8;
	[tilespmem:$0x18400] =	vst v63  }
0x18d: {  	s19 =	simm.s32 $0x6400  }
0x18e: {  	[tilespmem:s19], [sflag:$0x2] =	stream.indirect_vreg.gather [hbm4b:s2+s3], $0x80, v3, vm0, $0xb8;
	[tilespmem:$0x18400] =	vst v63  }
0x18f: {  	s20 =	simm.s32 $0x6C00  }
0x190: {  	[tilespmem:s20], [sflag:$0x2] =	stream.indirect_vreg.gather [hbm4b:s5+s3], $0x80, v3, vm0, $0xb8;
	[tilespmem:$0x18400] =	vst v63  }
0x191: {  	s26 =	simm.s32 $0x7400  }
0x192: {  	[tilespmem:s26], [sflag:$0x2] =	stream.indirect_vreg.gather [hbm4b:s6+s3], $0x80, v3, vm0, $0xb8;
	[tilespmem:$0x18400] =	vst v63  }
0x193: {  	s11 =	simm.s32 $0x7C00  }
0x194: {  	[tilespmem:s11], [sflag:$0x2] =	stream.indirect_vreg.gather [hbm4b:s8+s3], $0x80, v3, vm0, $0xb8;
	[tilespmem:$0x18400] =	vst v63  }
0x195: {  	_ =	swait.ge [sflag:s13], $0x4000  }
0x196: {  	[sflag:s13] =	ssyncset.done $0x0  }
0x197: {  	s17 =	rddreg [dreg:$0xb];
	[sflag:s13] =	ssyncadd.s32 $0xFFFFC000  }
0x198: {  	[hbm4b:s17+s3] =	stream.linear.scatter [tilespmem:s31], [sflag:$0xC], $0x4000, $0x38;
	[tilespmem:$0x18400] =	vst v63  }
0x199: {  	_ =	swait.ge [sflag:s23], $0x4000  }
0x19a: {  	[sflag:s23] =	ssyncset.done $0x0  }
0x19b: {  	[sflag:s23] =	ssyncadd.s32 $0xFFFFC000  }
0x19c: {  	v3 =	vld [tilespmem:$0x3E0];
	_ =	sdelay $0x4  }
0x19d: {  	v62 =	vshll.u32 v3, $0x3  }
0x19e: {  	v3 =	vand.u32 $0x7, v3;
	v4 =	vand.u32 $0xFFFFFFC0, v62  }
0x19f: {  	v3 =	vor.u32 v3, v4  }
0x1a0: {  	v4 =	vperm.xlane v3, v0;
	_ =	sdelay $0x1  }
0x1a1: {  	v4 =	vadd.s32 v1, v4;
	_ =	sdelay $0x3  }
0x1a2: {  	s11 =	simm.s32 $0x8400  }
0x1a3: {  	[tilespmem:s11], [sflag:$0x3] =	stream.indirect_vreg.gather [hbm4b:s2+s3], $0x80, v4, vm0, $0xb8;
	[tilespmem:$0x18400] =	vst v63  }
0x1a4: {  	s18 =	simm.s32 $0x8C00;
	v3 =	vperm.xlane v3, v2  }
0x1a5: {  	[tilespmem:s18], [sflag:$0x3] =	stream.indirect_vreg.gather [hbm4b:s5+s3], $0x80, v4, vm0, $0xb8;
	[tilespmem:$0x18400] =	vst v63  }
0x1a6: {  	s19 =	simm.s32 $0x9400;
	v3 =	vadd.s32 v1, v3  }
0x1a7: {  	[tilespmem:s19], [sflag:$0x3] =	stream.indirect_vreg.gather [hbm4b:s6+s3], $0x80, v4, vm0, $0xb8;
	[tilespmem:$0x18400] =	vst v63  }
0x1a8: {  	s20 =	simm.s32 $0x9C00  }
0x1a9: {  	[tilespmem:s20], [sflag:$0x3] =	stream.indirect_vreg.gather [hbm4b:s8+s3], $0x80, v4, vm0, $0xb8;
	[tilespmem:$0x18400] =	vst v63  }
0x1aa: {  	s26 =	simm.s32 $0xA400  }
0x1ab: {  	[tilespmem:s26], [sflag:$0x3] =	stream.indirect_vreg.gather [hbm4b:s2+s3], $0x80, v3, vm0, $0xb8;
	[tilespmem:$0x18400] =	vst v63  }
0x1ac: {  	s17 =	simm.s32 $0xAC00  }
0x1ad: {  	[tilespmem:s17], [sflag:$0x3] =	stream.indirect_vreg.gather [hbm4b:s5+s3], $0x80, v3, vm0, $0xb8;
	[tilespmem:$0x18400] =	vst v63  }
0x1ae: {  	s18 =	simm.s32 $0xB400  }
0x1af: {  	[tilespmem:s18], [sflag:$0x3] =	stream.indirect_vreg.gather [hbm4b:s6+s3], $0x80, v3, vm0, $0xb8;
	[tilespmem:$0x18400] =	vst v63  }
0x1b0: {  	s19 =	simm.s32 $0xBC00  }
0x1b1: {  	[tilespmem:s19], [sflag:$0x3] =	stream.indirect_vreg.gather [hbm4b:s8+s3], $0x80, v3, vm0, $0xb8;
	[tilespmem:$0x18400] =	vst v63  }
0x1b2: {  	_ =	swait.ge [sflag:s7], $0x4000  }
0x1b3: {  	[sflag:s7] =	ssyncset.done $0x0  }
0x1b4: {  	s20 =	rddreg [dreg:$0xc];
	[sflag:s7] =	ssyncadd.s32 $0xFFFFC000  }
0x1b5: {  	[hbm4b:s20+s3] =	stream.linear.scatter [tilespmem:s4], [sflag:$0x7], $0x4000, $0x38;
	[tilespmem:$0x18400] =	vst v63  }
0x1b6: {  	_ =	swait.ge [sflag:s24], $0x4000  }
0x1b7: {  	[sflag:s24] =	ssyncset.done $0x0  }
0x1b8: {  	[sflag:s24] =	ssyncadd.s32 $0xFFFFC000  }
0x1b9: {  	v3 =	vld [tilespmem:$0x3F0];
	_ =	sdelay $0x4  }
0x1ba: {  	v63 =	vshll.u32 v3, $0x3  }
0x1bb: {  	v3 =	vand.u32 $0x7, v3;
	v4 =	vand.u32 $0xFFFFFFC0, v63  }
0x1bc: {  	v3 =	vor.u32 v3, v4  }
0x1bd: {  	v4 =	vperm.xlane v3, v0;
	_ =	sdelay $0x1  }
0x1be: {  	v4 =	vadd.s32 v1, v4;
	_ =	sdelay $0x4  }
0x1bf: {  	[tilespmem:s16], [sflag:$0x4] =	stream.indirect_vreg.gather [hbm4b:s2+s3], $0x80, v4, vm0, $0xb8;
	[tilespmem:$0x18400] =	vst v63  }
0x1c0: {  	s26 =	simm.s32 $0xCC00;
	v3 =	vperm.xlane v3, v2  }
0x1c1: {  	[tilespmem:s26], [sflag:$0x4] =	stream.indirect_vreg.gather [hbm4b:s5+s3], $0x80, v4, vm0, $0xb8;
	[tilespmem:$0x18400] =	vst v63  }
0x1c2: {  	s4 =	simm.s32 $0xD400;
	v3 =	vadd.s32 v1, v3  }
0x1c3: {  	[tilespmem:s4], [sflag:$0x4] =	stream.indirect_vreg.gather [hbm4b:s6+s3], $0x80, v4, vm0, $0xb8;
	[tilespmem:$0x18400] =	vst v63  }
0x1c4: {  	s17 =	simm.s32 $0xDC00  }
0x1c5: {  	[tilespmem:s17], [sflag:$0x4] =	stream.indirect_vreg.gather [hbm4b:s8+s3], $0x80, v4, vm0, $0xb8;
	[tilespmem:$0x18400] =	vst v63  }
0x1c6: {  	s18 =	simm.s32 $0xE400  }
0x1c7: {  	[tilespmem:s18], [sflag:$0x4] =	stream.indirect_vreg.gather [hbm4b:s2+s3], $0x80, v3, vm0, $0xb8;
	[tilespmem:$0x18400] =	vst v63  }
0x1c8: {  	s19 =	simm.s32 $0xEC00  }
0x1c9: {  	[tilespmem:s19], [sflag:$0x4] =	stream.indirect_vreg.gather [hbm4b:s5+s3], $0x80, v3, vm0, $0xb8;
	[tilespmem:$0x18400] =	vst v63  }
0x1ca: {  	s20 =	simm.s32 $0xF400  }
0x1cb: {  	[tilespmem:s20], [sflag:$0x4] =	stream.indirect_vreg.gather [hbm4b:s6+s3], $0x80, v3, vm0, $0xb8;
	[tilespmem:$0x18400] =	vst v63  }
0x1cc: {  	s26 =	simm.s32 $0xFC00  }
0x1cd: {  	[tilespmem:s26], [sflag:$0x4] =	stream.indirect_vreg.gather [hbm4b:s8+s3], $0x80, v3, vm0, $0xb8;
	[tilespmem:$0x18400] =	vst v63  }
0x1ce: {  	_ =	swait.ge [sflag:s30], $0x4000  }
0x1cf: {  	[sflag:s30] =	ssyncset.done $0x0  }
0x1d0: {  	s4 =	rddreg [dreg:$0xd];
	[sflag:s30] =	ssyncadd.s32 $0xFFFFC000  }
0x1d1: {  	[hbm4b:s4+s3] =	stream.linear.scatter [tilespmem:s9], [sflag:$0x8], $0x4000, $0x38;
	[tilespmem:$0x18400] =	vst v63  }
0x1d2: {  	_ =	swait.ge [sflag:s25], $0x4000  }
0x1d3: {  	[sflag:s25] =	ssyncset.done $0x0  }
0x1d4: {  	[sflag:s25] =	ssyncadd.s32 $0xFFFFC000  }
0x1d5: {  	_ =	swait.ge [sflag:s14], $0x4000  }
0x1d6: {  	[sflag:s14] =	ssyncset.done $0x0  }
0x1d7: {  	s17 =	rddreg [dreg:$0xe];
	[sflag:s14] =	ssyncadd.s32 $0xFFFFC000  }
0x1d8: {  	[hbm4b:s17+s3] =	stream.linear.scatter [tilespmem:s11], [sflag:$0x9], $0x4000, $0x38;
	[tilespmem:$0x18400] =	vst v63  }
0x1d9: {  	_ =	swait.ge [sflag:s0], $0x4000  }
0x1da: {  	[sflag:s0] =	ssyncset.done $0x0  }
0x1db: {  	[sflag:s0] =	ssyncadd.s32 $0xFFFFC000  }
0x1dc: {  	_ =	swait.ge [sflag:s10], $0x4000  }
0x1dd: {  	[sflag:s10] =	ssyncset.done $0x0  }
0x1de: {  	s18 =	rddreg [dreg:$0xf];
	[sflag:s10] =	ssyncadd.s32 $0xFFFFC000  }
0x1df: {  	[hbm4b:s18+s3] =	stream.linear.scatter [tilespmem:s16], [sflag:$0xA], $0x4000, $0x38;
	[tilespmem:$0x18400] =	vst v63  }
0x1e0: {  	_ =	swait.ge [sflag:s21], $0x4000  }
0x1e1: {  	[sflag:s21] =	ssyncset.done $0x0  }
0x1e2: {  	[sflag:s21] =	ssyncadd.s32 $0xFFFFC000  }
0x1e3: {  	_ =	swait.ge [sflag:s22], $0x4000  }
0x1e4: {  	[sflag:s22] =	ssyncset.done $0x0  }
0x1e5: {  	[sflag:s22] =	ssyncadd.s32 $0xFFFFC000  }
0x1e6: {  	_ =	swait.ge [sflag:s23], $0x4000  }
0x1e7: {  	[sflag:s23] =	ssyncset.done $0x0  }
0x1e8: {  	[sflag:s23] =	ssyncadd.s32 $0xFFFFC000  }
0x1e9: {  	_ =	swait.ge [sflag:s24], $0x4000  }
0x1ea: {  	s20 =	rddreg [dreg:$0x11]  }
0x1eb: {  	s26 =	rddreg [dreg:$0x10];
	s11 =	sadd.s32 $0x1, s20  }
0x1ec: {  	p0 =	sne.s32 s11, s26  }
.Ltmp1:
0x1ed: {  	_ = 	snop;
	(pc) =	sbr.rel @p0 .LBB2_1-.Ltmp1, $4  }
0x1ee: {  	_ = 	snop  }
0x1ef: {  	s28 =	simm.s32 $0x13C00;
	s19 =	simm.s32 $0xC400;
	s4 =	simm.s32 $0x11400  }
0x1f0: {  	s9 =	simm.s32 $0x12400;
	s17 =	simm.s32 $0x11C00;
	[sflag:s24] =	ssyncset.done $0x0  }
0x1f1: {  	s16 =	simm.s32 $0x10C00;
	s18 =	simm.s32 $0x12C00;
	[sflag:s24] =	ssyncadd.s32 $0xFFFFC000  }
0x1f2: {  	_ =	sfence.sel $0x180000  }
0x1f3: {  	[bflag:$0x0] =	sbarrier.arrive $0xFFFF  }
0x1f4: {  	_ =	strace $0x90000047  }
0x1f5: {  	s0 =	stileid.u32;
	[bflag:$0x2] =	sbarrier.arrive $0xFFFF  }
0x1f6: {  	p0 =	sne.s32 s0, $0x0;
	s0 =	rddreg [dreg:$0x3]  }
0x1f7: {  	s0 =	sadd.s32 @!p0 $0x100000, s0  }
0x1f8: {  	[sflag:s0] =	ssyncadd.tile.s32 @!p0 $0x1;
	_ =	shalt  }
.Lfunc_end2:
_tile_overlayer_lowered:
.L_overlay_start_2:
0x1f9: {  	(tag) =	ssettag $0x2  }
0x1fa: {  	s0 =	rddreg [dreg:$0x0];
	s2 =	stileid.u32  }
0x1fb: {  	s1 =	rddreg [dreg:$0x1];
	p0 =	sne.s32 s2, $0x0  }
0x1fc: {  	s3 =	rddreg [dreg:$0x2];
	[bflag:$0x3] =	sbarrier.arrive $0xFFFF;
	s2 =	simm.s32 @!p0 $0x1C0D  }
0x1fd: {  	[timem:s3], [sflag:s2] =	dma.local @!p0 [hbm:s0], s1  }
0x1fe: {  	s0 =	simm.s32 @!p0 $0xD  }
0x1ff: {  	_ =	swait.ge @!p0 [sflag:s0], s1  }
0x200: {  	s1 =	ssub.s32 @!p0 $0x0, s1;
	[sflag:s0] =	ssyncset.done @!p0 $0x0  }
0x201: {  	[sflag:s0] =	ssyncadd.s32 @!p0 s1  }
0x202: {  	[bflag:$0x3] =	sbarrier.arrive $0xFFFF  }
0x203: {  	_ =	shalt  }

</sc_bundles>
